<compile_context>
chip_gen: v7x
topology: tpu7x:2x2x1
jax: 0.10.2.dev20260603
libtpu: 0.0.44.dev20260713+nightly
codegen_flags: <defaults>
</compile_context>

<pallas_src>
import jax
import jax.numpy as jnp
from jax import lax
from jax.experimental import pallas as pl
from jax.experimental.pallas import tpu as pltpu
from jax.experimental.pallas import tpu_sc as plsc

N_NODES = 10000
N_PAD = 10240
N_EDGES = 320000
D = 128

NC = 2
NS = 16
NW = NC * NS

CB = 80
EDGES_PER_W = N_EDGES // NW
CHUNKS_H = EDGES_PER_W // CB
EDGES_PER_T = N_EDGES // NS
CHUNKS_E = EDGES_PER_T // CB
ROWS_PER_S = N_PAD // NS



def _prep_h_body(h_ref, wf_ref, wb_ref, hf_ref, hb_ref):
    h = h_ref[...]
    hf_ref[...] = jnp.dot(h, wf_ref[...], preferred_element_type=jnp.float32)
    hb_ref[...] = jnp.dot(h, wb_ref[...], preferred_element_type=jnp.float32)



def _run_pipeline(chunks, chunk_fns):
    issue_idx, wait_idx, issue_loads, wait_loads, issue_scatters, wait_scatters = chunk_fns

    def chunk_step(p, i):
        wait_scatters(p ^ 1)
        issue_idx(p ^ 1, i + 1)
        wait_loads(p)
        issue_scatters(p)
        wait_idx(p ^ 1)
        issue_loads(p ^ 1, i + 1)

    issue_idx(0, 0)
    wait_idx(0)
    issue_loads(0, 0)
    issue_idx(1, 1)
    wait_loads(0)
    issue_scatters(0)
    wait_idx(1)
    issue_loads(1, 1)

    def loop_body(g, carry):
        chunk_step(1, 2 * g + 1)
        chunk_step(0, 2 * g + 2)
        return carry

    K = (chunks - 2) // 2
    lax.fori_loop(0, K, loop_body, 0)
    if chunks % 2:
        chunk_step(1, 2 * K + 1)
        last_p = 0
    else:
        last_p = 1

    wait_scatters(last_p ^ 1)
    wait_loads(last_p)
    issue_scatters(last_p)
    wait_scatters(last_p)


def _sc_h_body(hf_hbm, hb_hbm, heads_hbm, tails_hbm,
               zacc_hbm,
               acc_out,
               acc_sh,
               hidx0, tidx0, hidx1, tidx1,
               hbuf0, bbuf0, hbuf1, bbuf1,
               isem, gsem, ssem):
    cid = lax.axis_index("c")
    sid = lax.axis_index("s")
    wid = cid * NS + sid

    hidx = (hidx0, hidx1)
    tidx = (tidx0, tidx1)
    bufs = ((hbuf0, bbuf0), (hbuf1, bbuf1))

    pltpu.sync_copy(zacc_hbm.at[pl.ds(sid * ROWS_PER_S, ROWS_PER_S)],
                    acc_sh.at[pl.ds(sid * ROWS_PER_S, ROWS_PER_S)])
    plsc.subcore_barrier()

    def base_of(i):
        return wid * EDGES_PER_W + i * CB

    def issue_idx(p, i):
        b = base_of(i)
        pltpu.async_copy(heads_hbm.at[pl.ds(b, CB)], hidx[p], isem)
        pltpu.async_copy(tails_hbm.at[pl.ds(b, CB)], tidx[p], isem)

    def wait_idx(p):
        pltpu.make_async_copy(heads_hbm.at[pl.ds(0, CB)], hidx[p], isem).wait()
        pltpu.make_async_copy(tails_hbm.at[pl.ds(0, CB)], tidx[p], isem).wait()

    def issue_loads(p, i):
        HB = CB // 2
        for h in range(2):
            pltpu.async_copy(hf_hbm.at[hidx[p].at[pl.ds(h * HB, HB)]],
                             bufs[p][0].at[pl.ds(h * HB, HB)], gsem)
            pltpu.async_copy(hb_hbm.at[tidx[p].at[pl.ds(h * HB, HB)]],
                             bufs[p][1].at[pl.ds(h * HB, HB)], gsem)

    def wait_loads(p):
        HB = CB // 2
        for k in range(2):
            for h in range(2):
                pltpu.make_async_copy(hf_hbm.at[pl.ds(0, HB)],
                                      bufs[p][k].at[pl.ds(h * HB, HB)], gsem).wait()

    def issue_scatters(p):
        pltpu.async_copy(bufs[p][0], acc_sh.at[tidx[p]], ssem, add=True)
        pltpu.async_copy(bufs[p][1], acc_sh.at[hidx[p]], ssem, add=True)

    def wait_scatters(p):
        for k in range(2):
            pltpu.make_async_copy(bufs[p][k], acc_sh.at[tidx[p]], ssem).wait()

    _run_pipeline(CHUNKS_H, (issue_idx, wait_idx, issue_loads, wait_loads,
                             issue_scatters, wait_scatters))
    plsc.subcore_barrier()

    pltpu.sync_copy(acc_sh.at[pl.ds(sid * ROWS_PER_S, ROWS_PER_S)],
                    acc_out.at[cid, pl.ds(sid * ROWS_PER_S, ROWS_PER_S)])


def _sc_e_body(e_hbm, dst_hbm,
               zacc_hbm, zcnt_hbm, ones_hbm,
               acc_out, cnt_out,
               acc_sh, cnt_sh,
               didx0, didx1,
               ebuf0, ebuf1,
               ones_v, isem, gsem, ssem):
    cid = lax.axis_index("c")
    sid = lax.axis_index("s")

    didx = (didx0, didx1)
    ebuf = (ebuf0, ebuf1)

    pltpu.sync_copy(zacc_hbm.at[pl.ds(sid * ROWS_PER_S, ROWS_PER_S)],
                    acc_sh.at[pl.ds(sid * ROWS_PER_S, ROWS_PER_S)])
    pltpu.sync_copy(zcnt_hbm.at[pl.ds(sid * ROWS_PER_S, ROWS_PER_S)],
                    cnt_sh.at[pl.ds(sid * ROWS_PER_S, ROWS_PER_S)])
    pltpu.sync_copy(ones_hbm, ones_v)
    plsc.subcore_barrier()

    def base_of(i):
        return sid * EDGES_PER_T + i * CB

    def issue_idx(p, i):
        b = base_of(i)
        pltpu.async_copy(dst_hbm.at[pl.ds(cid * N_EDGES + b, CB)], didx[p], isem)

    def wait_idx(p):
        pltpu.make_async_copy(dst_hbm.at[pl.ds(0, CB)], didx[p], isem).wait()

    def issue_loads(p, i):
        b = base_of(i)
        pltpu.async_copy(e_hbm.at[pl.ds(b, CB)], ebuf[p], gsem)

    def wait_loads(p):
        pltpu.make_async_copy(e_hbm.at[pl.ds(0, CB)], ebuf[p], gsem).wait()

    def issue_scatters(p):
        pltpu.async_copy(ebuf[p], acc_sh.at[didx[p]], ssem, add=True)
        pltpu.async_copy(ones_v, cnt_sh.at[didx[p]], ssem, add=True)

    def wait_scatters(p):
        pltpu.make_async_copy(ebuf[p], acc_sh.at[didx[p]], ssem).wait()
        pltpu.make_async_copy(ones_v, cnt_sh.at[didx[p]], ssem).wait()

    _run_pipeline(CHUNKS_E, (issue_idx, wait_idx, issue_loads, wait_loads,
                             issue_scatters, wait_scatters))
    plsc.subcore_barrier()

    pltpu.sync_copy(acc_sh.at[pl.ds(sid * ROWS_PER_S, ROWS_PER_S)],
                    acc_out.at[cid, pl.ds(sid * ROWS_PER_S, ROWS_PER_S)])
    pltpu.sync_copy(cnt_sh.at[pl.ds(sid * ROWS_PER_S, ROWS_PER_S)],
                    cnt_out.at[cid, pl.ds(sid * ROWS_PER_S, ROWS_PER_S)])



def _final_e_body(acce_ref, cnt_ref, w2f_ref, w2b_ref, bf_ref, bb_ref,
                  me_ref, n_ref):
    cf = cnt_ref[0]
    cb = cnt_ref[1]
    me_ref[...] = (
        jnp.dot(acce_ref[0], w2f_ref[...], preferred_element_type=jnp.float32)
        + jnp.dot(acce_ref[1], w2b_ref[...], preferred_element_type=jnp.float32)
        + cf * bf_ref[...] + cb * bb_ref[...])
    n_ref[...] = cf + cb


def _final_body(acch_ref, me_ref, n_ref, h_ref, gamma_ref, beta_ref, out_ref):
    acc = acch_ref[0] + acch_ref[1] + me_ref[...]
    agg = acc / (n_ref[...] + 1e-07)
    x = jnp.where(agg >= 0, agg, 0.01 * agg) + h_ref[...]
    mean = jnp.mean(x, axis=-1, keepdims=True)
    var = jnp.mean(jnp.square(x - mean), axis=-1, keepdims=True)
    out_ref[...] = ((x - mean) / jnp.sqrt(var + 1e-5)) * gamma_ref[...] + beta_ref[...]



@jax.jit
def _run(H, E, ht, W_fwd, b_fwd, W_back, b_back, gamma, beta):
    heads = ht[:, 0].astype(jnp.int32)
    tails = ht[:, 1].astype(jnp.int32)
    dst = jnp.concatenate([tails, heads])

    w1f, w2f = W_fwd[:D], W_fwd[D:]
    w1b, w2b = W_back[:D], W_back[D:]

    zacc = jnp.zeros((N_PAD, D), jnp.float32)
    zcnt = jnp.zeros((N_PAD,), jnp.float32)
    ones = jnp.ones((CB,), jnp.float32)

    sc_e = pl.kernel(
        _sc_e_body,
        out_type=(jax.ShapeDtypeStruct((NC, N_PAD, D), jnp.float32),
                  jax.ShapeDtypeStruct((NC, N_PAD), jnp.float32)),
        mesh=plsc.VectorSubcoreMesh(core_axis_name="c", subcore_axis_name="s"),
        scratch_types=(
            [pltpu.VMEM_SHARED((N_PAD, D), jnp.float32),
             pltpu.VMEM_SHARED((N_PAD,), jnp.float32)]
            + [pltpu.VMEM((CB,), jnp.int32)] * 2
            + [pltpu.VMEM((CB, D), jnp.float32)] * 2
            + [pltpu.VMEM((CB,), jnp.float32)]
            + [pltpu.SemaphoreType.DMA] * 3
        ),
    )
    acce, cnts = sc_e(E, dst, zacc, zcnt, ones)

    RB = 2048
    cnts2 = cnts.reshape(NC, N_PAD, 1)
    me, nmsg = pl.pallas_call(
        _final_e_body,
        grid=(N_PAD // RB,),
        in_specs=[
            pl.BlockSpec((NC, RB, D), lambda i: (0, i, 0)),
            pl.BlockSpec((NC, RB, 1), lambda i: (0, i, 0)),
            pl.BlockSpec((D, D), lambda i: (0, 0)),
            pl.BlockSpec((D, D), lambda i: (0, 0)),
            pl.BlockSpec((D,), lambda i: (0,)),
            pl.BlockSpec((D,), lambda i: (0,)),
        ],
        out_specs=(pl.BlockSpec((RB, D), lambda i: (i, 0)),
                   pl.BlockSpec((RB, 1), lambda i: (i, 0))),
        out_shape=(jax.ShapeDtypeStruct((N_PAD, D), jnp.float32),
                   jax.ShapeDtypeStruct((N_PAD, 1), jnp.float32)),
    )(acce, cnts2, w2f, w2b, b_fwd, b_back)

    hf, hb = pl.pallas_call(
        _prep_h_body,
        out_shape=(jax.ShapeDtypeStruct((N_NODES, D), jnp.float32),
                   jax.ShapeDtypeStruct((N_NODES, D), jnp.float32)),
    )(H, w1f, w1b)

    sc_h = pl.kernel(
        _sc_h_body,
        out_type=jax.ShapeDtypeStruct((NC, N_PAD, D), jnp.float32),
        mesh=plsc.VectorSubcoreMesh(core_axis_name="c", subcore_axis_name="s"),
        scratch_types=(
            [pltpu.VMEM_SHARED((N_PAD, D), jnp.float32)]
            + [pltpu.VMEM((CB,), jnp.int32)] * 4
            + [pltpu.VMEM((CB, D), jnp.float32)] * 4
            + [pltpu.SemaphoreType.DMA] * 3
        ),
    )
    acch = sc_h(hf, hb, heads, tails, zacc)

    hpad = jnp.pad(H, ((0, N_PAD - N_NODES), (0, 0)))
    out = pl.pallas_call(
        _final_body,
        grid=(N_PAD // RB,),
        in_specs=[
            pl.BlockSpec((NC, RB, D), lambda i: (0, i, 0)),
            pl.BlockSpec((RB, D), lambda i: (i, 0)),
            pl.BlockSpec((RB, 1), lambda i: (i, 0)),
            pl.BlockSpec((RB, D), lambda i: (i, 0)),
            pl.BlockSpec((D,), lambda i: (0,)),
            pl.BlockSpec((D,), lambda i: (0,)),
        ],
        out_specs=pl.BlockSpec((RB, D), lambda i: (i, 0)),
        out_shape=jax.ShapeDtypeStruct((N_PAD, D), jnp.float32),
    )(acch, me, nmsg, hpad, gamma, beta)
    return out[:N_NODES]


def kernel(H, E, ht, W_fwd, b_fwd, W_back, b_back, gamma, beta):
    return _run(H, E, ht, W_fwd, b_fwd, W_back, b_back, gamma, beta)

# --- scband reference (transcript-rebuilt; emitter-appended) ---
"""Pipeline reference for scband-message-passing-layer-44616120271607 (READ-ONLY COPY).

The authoritative reference and input builder live on the scoring server;
editing this copy changes nothing except your own understanding.
"""

import jax, jax.numpy as jnp
import numpy as np

EMBED_DIM = 128
N_NODES = 10000
N_EDGES = 320000


def setup_inputs(seed: int = 0) -> dict:
    key = jax.random.key(seed)
    ks = jax.random.split(key, 12)
    H = jax.random.normal(ks[0], (N_NODES, EMBED_DIM), dtype=jnp.float32)
    E = jax.random.normal(ks[1], (N_EDGES, EMBED_DIM), dtype=jnp.float32)
    ht = jax.random.randint(ks[2], (N_EDGES, 2), 0, N_NODES, dtype=jnp.int64 if jax.config.jax_enable_x64 else jnp.int32)
    scale = 1.0 / np.sqrt(2 * EMBED_DIM)
    W_fwd = jax.random.uniform(ks[3], (2 * EMBED_DIM, EMBED_DIM), minval=-scale, maxval=scale, dtype=jnp.float32)
    b_fwd = jax.random.uniform(ks[4], (EMBED_DIM,), minval=-scale, maxval=scale, dtype=jnp.float32)
    W_back = jax.random.uniform(ks[5], (2 * EMBED_DIM, EMBED_DIM), minval=-scale, maxval=scale, dtype=jnp.float32)
    b_back = jax.random.uniform(ks[6], (EMBED_DIM,), minval=-scale, maxval=scale, dtype=jnp.float32)
    gamma = jnp.ones((EMBED_DIM,), dtype=jnp.float32)
    beta = jnp.zeros((EMBED_DIM,), dtype=jnp.float32)
    return {"H": H, "E": E, "ht": ht, "W_fwd": W_fwd, "b_fwd": b_fwd, "W_back": W_back, "b_back": b_back, "gamma": gamma, "beta": beta}


def _layer_norm(x, gamma, beta, eps=1e-5):
    mean = jnp.mean(x, axis=-1, keepdims=True)
    var = jnp.mean(jnp.square(x - mean), axis=-1, keepdims=True)
    return (x - mean) / jnp.sqrt(var + eps) * gamma + beta


def _leaky_relu(x, negative_slope=0.01):
    return jnp.where(x >= 0, x, negative_slope * x)


def reference(H, E, ht, W_fwd, b_fwd, W_back, b_back, gamma, beta):
    n = H.shape[0]
    d = H.shape[1]
    heads = ht[:, 0]
    tails = ht[:, 1]
    # forward messages: gather head embeddings, concat with edge features, linear
    raw_fwd = jnp.concatenate([jnp.take(H, heads, axis=0), E], axis=1)
    messages_fwd = raw_fwd @ W_fwd + b_fwd
    # backward messages: gather tail embeddings
    raw_back = jnp.concatenate([jnp.take(H, tails, axis=0), E], axis=1)
    messages_back = raw_back @ W_back + b_back
    # aggregate: fwd messages go to tails, back messages go to heads
    msg_dst = jnp.concatenate([tails, heads], axis=0)
    messages = jnp.concatenate([messages_fwd, messages_back], axis=0)
    agg_messages = jnp.zeros((n, d), dtype=messages.dtype).at[msg_dst].add(messages)
    num_msgs = jnp.zeros((n,), dtype=jnp.float32).at[msg_dst].add(1.0)
    agg_messages = agg_messages / (num_msgs.reshape(-1, 1) + 1e-07)
    out = _layer_norm(_leaky_relu(agg_messages) + H, gamma, beta)
    return out

if __name__ == "__main__":
    import jax
    _d = setup_inputs()
    print(jax.jit(kernel)(*tuple(_d.values())))

</pallas_src>

<mosaic_0001>
#map = affine_map<(d0, d1) -> (0, 0)>
#map1 = affine_map<(d0, d1) -> (0)>
#map2 = affine_map<(d0, d1) -> (0, 0, 0)>
module attributes {stable_mosaic.version = 14 : i64} {
  func.func @_sc_h_body(%arg0: i32, %arg1: i32, %arg2: memref<10000x128xf32, #tpu.memory_space<hbm>>, %arg3: memref<10000x128xf32, #tpu.memory_space<hbm>>, %arg4: memref<320000xi32, #tpu.memory_space<hbm>>, %arg5: memref<320000xi32, #tpu.memory_space<hbm>>, %arg6: memref<10240x128xf32, #tpu.memory_space<hbm>>, %arg7: memref<2x10240x128xf32, #tpu.memory_space<hbm>>, %arg8: memref<10240x128xf32, #tpu.memory_space<vmem_shared>>, %arg9: memref<80xi32, #tpu.memory_space<vmem>>, %arg10: memref<80xi32, #tpu.memory_space<vmem>>, %arg11: memref<80xi32, #tpu.memory_space<vmem>>, %arg12: memref<80xi32, #tpu.memory_space<vmem>>, %arg13: memref<80x128xf32, #tpu.memory_space<vmem>>, %arg14: memref<80x128xf32, #tpu.memory_space<vmem>>, %arg15: memref<80x128xf32, #tpu.memory_space<vmem>>, %arg16: memref<80x128xf32, #tpu.memory_space<vmem>>, %arg17: memref<!tpu.dma_semaphore, #tpu.memory_space<semaphore_mem>>, %arg18: memref<!tpu.dma_semaphore, #tpu.memory_space<semaphore_mem>>, %arg19: memref<!tpu.dma_semaphore, #tpu.memory_space<semaphore_mem>>) attributes {dimension_semantics = [#tpu.dimension_semantics<core_parallel>, #tpu.dimension_semantics<subcore_parallel>], iteration_bounds = array<i64: 2, 16>, scalar_prefetch = 0 : i64, scratch_operands = 12 : i64, tpu.core_type = #tpu.core_type<sc_vector_subcore>, window_params = [{transform_indices = #map}, {transform_indices = #map}, {transform_indices = #map1}, {transform_indices = #map1}, {transform_indices = #map}, {transform_indices = #map2}]} {
    %mul3A = arith.constant 16 : i32
    %mul3A_0 = arith.muli %arg0, %mul3A : i32
    %add3A = arith.addi %mul3A_0, %arg1 : i32
    %mul3A_1 = arith.constant 640 : i32
    %mul3A_2 = arith.muli %arg1, %mul3A_1 : i32
    %mul3A_3 = arith.constant 640 : i32
    %mul3A_4 = arith.muli %arg1, %mul3A_3 : i32
    "tpu.region"() ({
      %run_scoped3A = tpu.sem_alloc : memref<!tpu.dma_semaphore, #tpu.memory_space<semaphore_mem>>
      %dma_start3A_337 = arith.constant 0 : i32
      %dma_start3A_338 = tpu.memref_slice %arg8[%mul3A_4, %dma_start3A_337] : memref<10240x128xf32, #tpu.memory_space<vmem_shared>> -> memref<640x128xf32, #tpu.memory_space<vmem_shared>>
      %dma_start3A_339 = arith.constant 0 : i32
      %dma_start3A_340 = tpu.memref_slice %arg6[%mul3A_2, %dma_start3A_339] : memref<10240x128xf32, #tpu.memory_space<hbm>> -> memref<640x128xf32, #tpu.memory_space<hbm>>
      tpu.enqueue_dma source(%dma_start3A_340 : memref<640x128xf32, #tpu.memory_space<hbm>>) target(%dma_start3A_338 : memref<640x128xf32, #tpu.memory_space<vmem_shared>>) target_semaphore(%run_scoped3A : memref<!tpu.dma_semaphore, #tpu.memory_space<semaphore_mem>>)
      %dma_wait3A_341 = arith.constant 0 : i32
      %dma_wait3A_342 = tpu.memref_slice %arg8[%mul3A_4, %dma_wait3A_341] : memref<10240x128xf32, #tpu.memory_space<vmem_shared>> -> memref<640x128xf32, #tpu.memory_space<vmem_shared>>
      %dma_wait3A_343 = arith.constant 0 : i32
      %dma_wait3A_344 = tpu.memref_slice %arg6[%mul3A_2, %dma_wait3A_343] : memref<10240x128xf32, #tpu.memory_space<hbm>> -> memref<640x128xf32, #tpu.memory_space<hbm>>
      tpu.wait_dma2 semaphore(%run_scoped3A : memref<!tpu.dma_semaphore, #tpu.memory_space<semaphore_mem>>) src(%dma_wait3A_344 : memref<640x128xf32, #tpu.memory_space<hbm>>) dst(%dma_wait3A_342 : memref<640x128xf32, #tpu.memory_space<vmem_shared>>)
      tpu.yield
    }) : () -> ()
    %barrier3A = arith.constant 0 : index
    tpu.barrier barrier_id(%barrier3A)
    %mul3A_5 = arith.constant 10000 : i32
    %mul3A_6 = arith.muli %add3A, %mul3A_5 : i32
    %add3A_7 = arith.constant 0 : i32
    %add3A_8 = arith.addi %mul3A_6, %add3A_7 : i32
    %dma_start3A = tpu.memref_slice %arg4[%add3A_8] : memref<320000xi32, #tpu.memory_space<hbm>> -> memref<80xi32, #tpu.memory_space<hbm>>
    %dma_start3A_9 = tpu.memref_slice %arg4[%add3A_8] : memref<320000xi32, #tpu.memory_space<hbm>> -> memref<80xi32, #tpu.memory_space<hbm>>
    tpu.enqueue_dma source(%dma_start3A_9 : memref<80xi32, #tpu.memory_space<hbm>>) target(%arg9 : memref<80xi32, #tpu.memory_space<vmem>>) target_semaphore(%arg17 : memref<!tpu.dma_semaphore, #tpu.memory_space<semaphore_mem>>)
    %dma_start3A_10 = tpu.memref_slice %arg5[%add3A_8] : memref<320000xi32, #tpu.memory_space<hbm>> -> memref<80xi32, #tpu.memory_space<hbm>>
    %dma_start3A_11 = tpu.memref_slice %arg5[%add3A_8] : memref<320000xi32, #tpu.memory_space<hbm>> -> memref<80xi32, #tpu.memory_space<hbm>>
    tpu.enqueue_dma source(%dma_start3A_11 : memref<80xi32, #tpu.memory_space<hbm>>) target(%arg10 : memref<80xi32, #tpu.memory_space<vmem>>) target_semaphore(%arg17 : memref<!tpu.dma_semaphore, #tpu.memory_space<semaphore_mem>>)
    %dma_wait3A = arith.constant 0 : i32
    %dma_wait3A_12 = tpu.memref_slice %arg4[%dma_wait3A] : memref<320000xi32, #tpu.memory_space<hbm>> -> memref<80xi32, #tpu.memory_space<hbm>>
    %dma_wait3A_13 = arith.constant 0 : i32
    %dma_wait3A_14 = tpu.memref_slice %arg4[%dma_wait3A_13] : memref<320000xi32, #tpu.memory_space<hbm>> -> memref<80xi32, #tpu.memory_space<hbm>>
    tpu.wait_dma2 semaphore(%arg17 : memref<!tpu.dma_semaphore, #tpu.memory_space<semaphore_mem>>) src(%dma_wait3A_14 : memref<80xi32, #tpu.memory_space<hbm>>) dst(%arg9 : memref<80xi32, #tpu.memory_space<vmem>>)
    %dma_wait3A_15 = arith.constant 0 : i32
    %dma_wait3A_16 = tpu.memref_slice %arg5[%dma_wait3A_15] : memref<320000xi32, #tpu.memory_space<hbm>> -> memref<80xi32, #tpu.memory_space<hbm>>
    %dma_wait3A_17 = arith.constant 0 : i32
    %dma_wait3A_18 = tpu.memref_slice %arg5[%dma_wait3A_17] : memref<320000xi32, #tpu.memory_space<hbm>> -> memref<80xi32, #tpu.memory_space<hbm>>
    tpu.wait_dma2 semaphore(%arg17 : memref<!tpu.dma_semaphore, #tpu.memory_space<semaphore_mem>>) src(%dma_wait3A_18 : memref<80xi32, #tpu.memory_space<hbm>>) dst(%arg10 : memref<80xi32, #tpu.memory_space<vmem>>)
    %dma_start3A_19 = arith.constant 0 : i32
    %dma_start3A_20 = arith.constant 0 : i32
    %dma_start3A_21 = tpu.memref_slice %arg13[%dma_start3A_19, %dma_start3A_20] : memref<80x128xf32, #tpu.memory_space<vmem>> -> memref<40x128xf32, #tpu.memory_space<vmem>>
    %dma_start3A_22 = arith.constant 0 : i32
    %dma_start3A_23 = tpu.memref_slice %arg9[%dma_start3A_22] : memref<80xi32, #tpu.memory_space<vmem>> -> memref<40xi32, #tpu.memory_space<vmem>>
    %dma_start3A_24 = arith.constant 0 : i32
    %dma_start3A_25 = arith.constant 0 : i32
    %dma_start3A_26 = tpu.memref_slice %arg2[%dma_start3A_24, %dma_start3A_25] : memref<10000x128xf32, #tpu.memory_space<hbm>> -> memref<10000x128xf32, #tpu.memory_space<hbm>>
    tpu.enqueue_indirect_dma source(%dma_start3A_26 : memref<10000x128xf32, #tpu.memory_space<hbm>>) target(%dma_start3A_21 : memref<40x128xf32, #tpu.memory_space<vmem>>) offsets(%dma_start3A_23 : memref<40xi32, #tpu.memory_space<vmem>>) semaphore(%arg18 : memref<!tpu.dma_semaphore, #tpu.memory_space<semaphore_mem>>)
    %dma_start3A_27 = arith.constant 0 : i32
    %dma_start3A_28 = arith.constant 0 : i32
    %dma_start3A_29 = tpu.memref_slice %arg14[%dma_start3A_27, %dma_start3A_28] : memref<80x128xf32, #tpu.memory_space<vmem>> -> memref<40x128xf32, #tpu.memory_space<vmem>>
    %dma_start3A_30 = arith.constant 0 : i32
    %dma_start3A_31 = tpu.memref_slice %arg10[%dma_start3A_30] : memref<80xi32, #tpu.memory_space<vmem>> -> memref<40xi32, #tpu.memory_space<vmem>>
    %dma_start3A_32 = arith.constant 0 : i32
    %dma_start3A_33 = arith.constant 0 : i32
    %dma_start3A_34 = tpu.memref_slice %arg3[%dma_start3A_32, %dma_start3A_33] : memref<10000x128xf32, #tpu.memory_space<hbm>> -> memref<10000x128xf32, #tpu.memory_space<hbm>>
    tpu.enqueue_indirect_dma source(%dma_start3A_34 : memref<10000x128xf32, #tpu.memory_space<hbm>>) target(%dma_start3A_29 : memref<40x128xf32, #tpu.memory_space<vmem>>) offsets(%dma_start3A_31 : memref<40xi32, #tpu.memory_space<vmem>>) semaphore(%arg18 : memref<!tpu.dma_semaphore, #tpu.memory_space<semaphore_mem>>)
    %dma_start3A_35 = arith.constant 40 : i32
    %dma_start3A_36 = arith.constant 0 : i32
    %dma_start3A_37 = tpu.memref_slice %arg13[%dma_start3A_35, %dma_start3A_36] : memref<80x128xf32, #tpu.memory_space<vmem>> -> memref<40x128xf32, #tpu.memory_space<vmem>>
    %dma_start3A_38 = arith.constant 40 : i32
    %dma_start3A_39 = tpu.memref_slice %arg9[%dma_start3A_38] : memref<80xi32, #tpu.memory_space<vmem>> -> memref<40xi32, #tpu.memory_space<vmem>>
    %dma_start3A_40 = arith.constant 0 : i32
    %dma_start3A_41 = arith.constant 0 : i32
    %dma_start3A_42 = tpu.memref_slice %arg2[%dma_start3A_40, %dma_start3A_41] : memref<10000x128xf32, #tpu.memory_space<hbm>> -> memref<10000x128xf32, #tpu.memory_space<hbm>>
    tpu.enqueue_indirect_dma source(%dma_start3A_42 : memref<10000x128xf32, #tpu.memory_space<hbm>>) target(%dma_start3A_37 : memref<40x128xf32, #tpu.memory_space<vmem>>) offsets(%dma_start3A_39 : memref<40xi32, #tpu.memory_space<vmem>>) semaphore(%arg18 : memref<!tpu.dma_semaphore, #tpu.memory_space<semaphore_mem>>)
    %dma_start3A_43 = arith.constant 40 : i32
    %dma_start3A_44 = arith.constant 0 : i32
    %dma_start3A_45 = tpu.memref_slice %arg14[%dma_start3A_43, %dma_start3A_44] : memref<80x128xf32, #tpu.memory_space<vmem>> -> memref<40x128xf32, #tpu.memory_space<vmem>>
    %dma_start3A_46 = arith.constant 40 : i32
    %dma_start3A_47 = tpu.memref_slice %arg10[%dma_start3A_46] : memref<80xi32, #tpu.memory_space<vmem>> -> memref<40xi32, #tpu.memory_space<vmem>>
    %dma_start3A_48 = arith.constant 0 : i32
    %dma_start3A_49 = arith.constant 0 : i32
    %dma_start3A_50 = tpu.memref_slice %arg3[%dma_start3A_48, %dma_start3A_49] : memref<10000x128xf32, #tpu.memory_space<hbm>> -> memref<10000x128xf32, #tpu.memory_space<hbm>>
    tpu.enqueue_indirect_dma source(%dma_start3A_50 : memref<10000x128xf32, #tpu.memory_space<hbm>>) target(%dma_start3A_45 : memref<40x128xf32, #tpu.memory_space<vmem>>) offsets(%dma_start3A_47 : memref<40xi32, #tpu.memory_space<vmem>>) semaphore(%arg18 : memref<!tpu.dma_semaphore, #tpu.memory_space<semaphore_mem>>)
    %mul3A_51 = arith.constant 10000 : i32
    %mul3A_52 = arith.muli %add3A, %mul3A_51 : i32
    %add3A_53 = arith.constant 80 : i32
    %add3A_54 = arith.addi %mul3A_52, %add3A_53 : i32
    %dma_start3A_55 = tpu.memref_slice %arg4[%add3A_54] : memref<320000xi32, #tpu.memory_space<hbm>> -> memref<80xi32, #tpu.memory_space<hbm>>
    %dma_start3A_56 = tpu.memref_slice %arg4[%add3A_54] : memref<320000xi32, #tpu.memory_space<hbm>> -> memref<80xi32, #tpu.memory_space<hbm>>
    tpu.enqueue_dma source(%dma_start3A_56 : memref<80xi32, #tpu.memory_space<hbm>>) target(%arg11 : memref<80xi32, #tpu.memory_space<vmem>>) target_semaphore(%arg17 : memref<!tpu.dma_semaphore, #tpu.memory_space<semaphore_mem>>)
    %dma_start3A_57 = tpu.memref_slice %arg5[%add3A_54] : memref<320000xi32, #tpu.memory_space<hbm>> -> memref<80xi32, #tpu.memory_space<hbm>>
    %dma_start3A_58 = tpu.memref_slice %arg5[%add3A_54] : memref<320000xi32, #tpu.memory_space<hbm>> -> memref<80xi32, #tpu.memory_space<hbm>>
    tpu.enqueue_dma source(%dma_start3A_58 : memref<80xi32, #tpu.memory_space<hbm>>) target(%arg12 : memref<80xi32, #tpu.memory_space<vmem>>) target_semaphore(%arg17 : memref<!tpu.dma_semaphore, #tpu.memory_space<semaphore_mem>>)
    %dma_wait3A_59 = arith.constant 0 : i32
    %dma_wait3A_60 = arith.constant 0 : i32
    %dma_wait3A_61 = tpu.memref_slice %arg13[%dma_wait3A_59, %dma_wait3A_60] : memref<80x128xf32, #tpu.memory_space<vmem>> -> memref<40x128xf32, #tpu.memory_space<vmem>>
    %dma_wait3A_62 = arith.constant 0 : i32
    %dma_wait3A_63 = arith.constant 0 : i32
    %dma_wait3A_64 = tpu.memref_slice %arg2[%dma_wait3A_62, %dma_wait3A_63] : memref<10000x128xf32, #tpu.memory_space<hbm>> -> memref<40x128xf32, #tpu.memory_space<hbm>>
    %dma_wait3A_65 = arith.constant 0 : i32
    %dma_wait3A_66 = arith.constant 0 : i32
    %dma_wait3A_67 = tpu.memref_slice %arg13[%dma_wait3A_65, %dma_wait3A_66] : memref<80x128xf32, #tpu.memory_space<vmem>> -> memref<40x128xf32, #tpu.memory_space<vmem>>
    %dma_wait3A_68 = arith.constant 0 : i32
    %dma_wait3A_69 = arith.constant 0 : i32
    %dma_wait3A_70 = tpu.memref_slice %arg2[%dma_wait3A_68, %dma_wait3A_69] : memref<10000x128xf32, #tpu.memory_space<hbm>> -> memref<40x128xf32, #tpu.memory_space<hbm>>
    tpu.wait_dma2 semaphore(%arg18 : memref<!tpu.dma_semaphore, #tpu.memory_space<semaphore_mem>>) src(%dma_wait3A_70 : memref<40x128xf32, #tpu.memory_space<hbm>>) dst(%dma_wait3A_67 : memref<40x128xf32, #tpu.memory_space<vmem>>)
    %dma_wait3A_71 = arith.constant 40 : i32
    %dma_wait3A_72 = arith.constant 0 : i32
    %dma_wait3A_73 = tpu.memref_slice %arg13[%dma_wait3A_71, %dma_wait3A_72] : memref<80x128xf32, #tpu.memory_space<vmem>> -> memref<40x128xf32, #tpu.memory_space<vmem>>
    %dma_wait3A_74 = arith.constant 0 : i32
    %dma_wait3A_75 = arith.constant 0 : i32
    %dma_wait3A_76 = tpu.memref_slice %arg2[%dma_wait3A_74, %dma_wait3A_75] : memref<10000x128xf32, #tpu.memory_space<hbm>> -> memref<40x128xf32, #tpu.memory_space<hbm>>
    %dma_wait3A_77 = arith.constant 40 : i32
    %dma_wait3A_78 = arith.constant 0 : i32
    %dma_wait3A_79 = tpu.memref_slice %arg13[%dma_wait3A_77, %dma_wait3A_78] : memref<80x128xf32, #tpu.memory_space<vmem>> -> memref<40x128xf32, #tpu.memory_space<vmem>>
    %dma_wait3A_80 = arith.constant 0 : i32
    %dma_wait3A_81 = arith.constant 0 : i32
    %dma_wait3A_82 = tpu.memref_slice %arg2[%dma_wait3A_80, %dma_wait3A_81] : memref<10000x128xf32, #tpu.memory_space<hbm>> -> memref<40x128xf32, #tpu.memory_space<hbm>>
    tpu.wait_dma2 semaphore(%arg18 : memref<!tpu.dma_semaphore, #tpu.memory_space<semaphore_mem>>) src(%dma_wait3A_82 : memref<40x128xf32, #tpu.memory_space<hbm>>) dst(%dma_wait3A_79 : memref<40x128xf32, #tpu.memory_space<vmem>>)
    %dma_wait3A_83 = arith.constant 0 : i32
    %dma_wait3A_84 = arith.constant 0 : i32
    %dma_wait3A_85 = tpu.memref_slice %arg14[%dma_wait3A_83, %dma_wait3A_84] : memref<80x128xf32, #tpu.memory_space<vmem>> -> memref<40x128xf32, #tpu.memory_space<vmem>>
    %dma_wait3A_86 = arith.constant 0 : i32
    %dma_wait3A_87 = arith.constant 0 : i32
    %dma_wait3A_88 = tpu.memref_slice %arg2[%dma_wait3A_86, %dma_wait3A_87] : memref<10000x128xf32, #tpu.memory_space<hbm>> -> memref<40x128xf32, #tpu.memory_space<hbm>>
    %dma_wait3A_89 = arith.constant 0 : i32
    %dma_wait3A_90 = arith.constant 0 : i32
    %dma_wait3A_91 = tpu.memref_slice %arg14[%dma_wait3A_89, %dma_wait3A_90] : memref<80x128xf32, #tpu.memory_space<vmem>> -> memref<40x128xf32, #tpu.memory_space<vmem>>
    %dma_wait3A_92 = arith.constant 0 : i32
    %dma_wait3A_93 = arith.constant 0 : i32
    %dma_wait3A_94 = tpu.memref_slice %arg2[%dma_wait3A_92, %dma_wait3A_93] : memref<10000x128xf32, #tpu.memory_space<hbm>> -> memref<40x128xf32, #tpu.memory_space<hbm>>
    tpu.wait_dma2 semaphore(%arg18 : memref<!tpu.dma_semaphore, #tpu.memory_space<semaphore_mem>>) src(%dma_wait3A_94 : memref<40x128xf32, #tpu.memory_space<hbm>>) dst(%dma_wait3A_91 : memref<40x128xf32, #tpu.memory_space<vmem>>)
    %dma_wait3A_95 = arith.constant 40 : i32
    %dma_wait3A_96 = arith.constant 0 : i32
    %dma_wait3A_97 = tpu.memref_slice %arg14[%dma_wait3A_95, %dma_wait3A_96] : memref<80x128xf32, #tpu.memory_space<vmem>> -> memref<40x128xf32, #tpu.memory_space<vmem>>
    %dma_wait3A_98 = arith.constant 0 : i32
    %dma_wait3A_99 = arith.constant 0 : i32
    %dma_wait3A_100 = tpu.memref_slice %arg2[%dma_wait3A_98, %dma_wait3A_99] : memref<10000x128xf32, #tpu.memory_space<hbm>> -> memref<40x128xf32, #tpu.memory_space<hbm>>
    %dma_wait3A_101 = arith.constant 40 : i32
    %dma_wait3A_102 = arith.constant 0 : i32
    %dma_wait3A_103 = tpu.memref_slice %arg14[%dma_wait3A_101, %dma_wait3A_102] : memref<80x128xf32, #tpu.memory_space<vmem>> -> memref<40x128xf32, #tpu.memory_space<vmem>>
    %dma_wait3A_104 = arith.constant 0 : i32
    %dma_wait3A_105 = arith.constant 0 : i32
    %dma_wait3A_106 = tpu.memref_slice %arg2[%dma_wait3A_104, %dma_wait3A_105] : memref<10000x128xf32, #tpu.memory_space<hbm>> -> memref<40x128xf32, #tpu.memory_space<hbm>>
    tpu.wait_dma2 semaphore(%arg18 : memref<!tpu.dma_semaphore, #tpu.memory_space<semaphore_mem>>) src(%dma_wait3A_106 : memref<40x128xf32, #tpu.memory_space<hbm>>) dst(%dma_wait3A_103 : memref<40x128xf32, #tpu.memory_space<vmem>>)
    %dma_start3A_107 = arith.constant 0 : i32
    %dma_start3A_108 = arith.constant 0 : i32
    %dma_start3A_109 = tpu.memref_slice %arg8[%dma_start3A_107, %dma_start3A_108] : memref<10240x128xf32, #tpu.memory_space<vmem_shared>> -> memref<10240x128xf32, #tpu.memory_space<vmem_shared>>
    tpu.enqueue_indirect_dma source(%arg13 : memref<80x128xf32, #tpu.memory_space<vmem>>) target(%dma_start3A_109 : memref<10240x128xf32, #tpu.memory_space<vmem_shared>>) offsets(%arg10 : memref<80xi32, #tpu.memory_space<vmem>>) semaphore(%arg19 : memref<!tpu.dma_semaphore, #tpu.memory_space<semaphore_mem>>) {add = true}
    %dma_start3A_110 = arith.constant 0 : i32
    %dma_start3A_111 = arith.constant 0 : i32
    %dma_start3A_112 = tpu.memref_slice %arg8[%dma_start3A_110, %dma_start3A_111] : memref<10240x128xf32, #tpu.memory_space<vmem_shared>> -> memref<10240x128xf32, #tpu.memory_space<vmem_shared>>
    tpu.enqueue_indirect_dma source(%arg14 : memref<80x128xf32, #tpu.memory_space<vmem>>) target(%dma_start3A_112 : memref<10240x128xf32, #tpu.memory_space<vmem_shared>>) offsets(%arg9 : memref<80xi32, #tpu.memory_space<vmem>>) semaphore(%arg19 : memref<!tpu.dma_semaphore, #tpu.memory_space<semaphore_mem>>) {add = true}
    %dma_wait3A_113 = arith.constant 0 : i32
    %dma_wait3A_114 = tpu.memref_slice %arg4[%dma_wait3A_113] : memref<320000xi32, #tpu.memory_space<hbm>> -> memref<80xi32, #tpu.memory_space<hbm>>
    %dma_wait3A_115 = arith.constant 0 : i32
    %dma_wait3A_116 = tpu.memref_slice %arg4[%dma_wait3A_115] : memref<320000xi32, #tpu.memory_space<hbm>> -> memref<80xi32, #tpu.memory_space<hbm>>
    tpu.wait_dma2 semaphore(%arg17 : memref<!tpu.dma_semaphore, #tpu.memory_space<semaphore_mem>>) src(%dma_wait3A_116 : memref<80xi32, #tpu.memory_space<hbm>>) dst(%arg11 : memref<80xi32, #tpu.memory_space<vmem>>)
    %dma_wait3A_117 = arith.constant 0 : i32
    %dma_wait3A_118 = tpu.memref_slice %arg5[%dma_wait3A_117] : memref<320000xi32, #tpu.memory_space<hbm>> -> memref<80xi32, #tpu.memory_space<hbm>>
    %dma_wait3A_119 = arith.constant 0 : i32
    %dma_wait3A_120 = tpu.memref_slice %arg5[%dma_wait3A_119] : memref<320000xi32, #tpu.memory_space<hbm>> -> memref<80xi32, #tpu.memory_space<hbm>>
    tpu.wait_dma2 semaphore(%arg17 : memref<!tpu.dma_semaphore, #tpu.memory_space<semaphore_mem>>) src(%dma_wait3A_120 : memref<80xi32, #tpu.memory_space<hbm>>) dst(%arg12 : memref<80xi32, #tpu.memory_space<vmem>>)
    %dma_start3A_121 = arith.constant 0 : i32
    %dma_start3A_122 = arith.constant 0 : i32
    %dma_start3A_123 = tpu.memref_slice %arg15[%dma_start3A_121, %dma_start3A_122] : memref<80x128xf32, #tpu.memory_space<vmem>> -> memref<40x128xf32, #tpu.memory_space<vmem>>
    %dma_start3A_124 = arith.constant 0 : i32
    %dma_start3A_125 = tpu.memref_slice %arg11[%dma_start3A_124] : memref<80xi32, #tpu.memory_space<vmem>> -> memref<40xi32, #tpu.memory_space<vmem>>
    %dma_start3A_126 = arith.constant 0 : i32
    %dma_start3A_127 = arith.constant 0 : i32
    %dma_start3A_128 = tpu.memref_slice %arg2[%dma_start3A_126, %dma_start3A_127] : memref<10000x128xf32, #tpu.memory_space<hbm>> -> memref<10000x128xf32, #tpu.memory_space<hbm>>
    tpu.enqueue_indirect_dma source(%dma_start3A_128 : memref<10000x128xf32, #tpu.memory_space<hbm>>) target(%dma_start3A_123 : memref<40x128xf32, #tpu.memory_space<vmem>>) offsets(%dma_start3A_125 : memref<40xi32, #tpu.memory_space<vmem>>) semaphore(%arg18 : memref<!tpu.dma_semaphore, #tpu.memory_space<semaphore_mem>>)
    %dma_start3A_129 = arith.constant 0 : i32
    %dma_start3A_130 = arith.constant 0 : i32
    %dma_start3A_131 = tpu.memref_slice %arg16[%dma_start3A_129, %dma_start3A_130] : memref<80x128xf32, #tpu.memory_space<vmem>> -> memref<40x128xf32, #tpu.memory_space<vmem>>
    %dma_start3A_132 = arith.constant 0 : i32
    %dma_start3A_133 = tpu.memref_slice %arg12[%dma_start3A_132] : memref<80xi32, #tpu.memory_space<vmem>> -> memref<40xi32, #tpu.memory_space<vmem>>
    %dma_start3A_134 = arith.constant 0 : i32
    %dma_start3A_135 = arith.constant 0 : i32
    %dma_start3A_136 = tpu.memref_slice %arg3[%dma_start3A_134, %dma_start3A_135] : memref<10000x128xf32, #tpu.memory_space<hbm>> -> memref<10000x128xf32, #tpu.memory_space<hbm>>
    tpu.enqueue_indirect_dma source(%dma_start3A_136 : memref<10000x128xf32, #tpu.memory_space<hbm>>) target(%dma_start3A_131 : memref<40x128xf32, #tpu.memory_space<vmem>>) offsets(%dma_start3A_133 : memref<40xi32, #tpu.memory_space<vmem>>) semaphore(%arg18 : memref<!tpu.dma_semaphore, #tpu.memory_space<semaphore_mem>>)
    %dma_start3A_137 = arith.constant 40 : i32
    %dma_start3A_138 = arith.constant 0 : i32
    %dma_start3A_139 = tpu.memref_slice %arg15[%dma_start3A_137, %dma_start3A_138] : memref<80x128xf32, #tpu.memory_space<vmem>> -> memref<40x128xf32, #tpu.memory_space<vmem>>
    %dma_start3A_140 = arith.constant 40 : i32
    %dma_start3A_141 = tpu.memref_slice %arg11[%dma_start3A_140] : memref<80xi32, #tpu.memory_space<vmem>> -> memref<40xi32, #tpu.memory_space<vmem>>
    %dma_start3A_142 = arith.constant 0 : i32
    %dma_start3A_143 = arith.constant 0 : i32
    %dma_start3A_144 = tpu.memref_slice %arg2[%dma_start3A_142, %dma_start3A_143] : memref<10000x128xf32, #tpu.memory_space<hbm>> -> memref<10000x128xf32, #tpu.memory_space<hbm>>
    tpu.enqueue_indirect_dma source(%dma_start3A_144 : memref<10000x128xf32, #tpu.memory_space<hbm>>) target(%dma_start3A_139 : memref<40x128xf32, #tpu.memory_space<vmem>>) offsets(%dma_start3A_141 : memref<40xi32, #tpu.memory_space<vmem>>) semaphore(%arg18 : memref<!tpu.dma_semaphore, #tpu.memory_space<semaphore_mem>>)
    %dma_start3A_145 = arith.constant 40 : i32
    %dma_start3A_146 = arith.constant 0 : i32
    %dma_start3A_147 = tpu.memref_slice %arg16[%dma_start3A_145, %dma_start3A_146] : memref<80x128xf32, #tpu.memory_space<vmem>> -> memref<40x128xf32, #tpu.memory_space<vmem>>
    %dma_start3A_148 = arith.constant 40 : i32
    %dma_start3A_149 = tpu.memref_slice %arg12[%dma_start3A_148] : memref<80xi32, #tpu.memory_space<vmem>> -> memref<40xi32, #tpu.memory_space<vmem>>
    %dma_start3A_150 = arith.constant 0 : i32
    %dma_start3A_151 = arith.constant 0 : i32
    %dma_start3A_152 = tpu.memref_slice %arg3[%dma_start3A_150, %dma_start3A_151] : memref<10000x128xf32, #tpu.memory_space<hbm>> -> memref<10000x128xf32, #tpu.memory_space<hbm>>
    tpu.enqueue_indirect_dma source(%dma_start3A_152 : memref<10000x128xf32, #tpu.memory_space<hbm>>) target(%dma_start3A_147 : memref<40x128xf32, #tpu.memory_space<vmem>>) offsets(%dma_start3A_149 : memref<40xi32, #tpu.memory_space<vmem>>) semaphore(%arg18 : memref<!tpu.dma_semaphore, #tpu.memory_space<semaphore_mem>>)
    %scan3A = arith.constant 0 : i32
    %scan3A_153 = arith.constant 0 : i32
    %scan3A_154 = arith.constant 61 : i32
    %scan3A_155 = arith.addi %scan3A_153, %scan3A_154 : i32
    %scan3A_156 = arith.constant 1 : i32
    scf.for %scan3A_337 = %scan3A_153 to %scan3A_155 step %scan3A_156  : i32 {
      %mul3A_338 = arith.constant 2 : i32
      %mul3A_339 = arith.muli %mul3A_338, %scan3A_337 : i32
      %add3A_340 = arith.constant 1 : i32
      %add3A_341 = arith.addi %mul3A_339, %add3A_340 : i32
      %dma_wait3A_342 = arith.constant 0 : i32
      %dma_wait3A_343 = arith.constant 0 : i32
      %dma_wait3A_344 = tpu.memref_slice %arg8[%dma_wait3A_342, %dma_wait3A_343] : memref<10240x128xf32, #tpu.memory_space<vmem_shared>> -> memref<10240x128xf32, #tpu.memory_space<vmem_shared>>
      tpu.wait_indirect_dma semaphore(%arg19 : memref<!tpu.dma_semaphore, #tpu.memory_space<semaphore_mem>>) src(%arg13 : memref<80x128xf32, #tpu.memory_space<vmem>>) dst(%dma_wait3A_344 : memref<10240x128xf32, #tpu.memory_space<vmem_shared>>)
      %dma_wait3A_345 = arith.constant 0 : i32
      %dma_wait3A_346 = arith.constant 0 : i32
      %dma_wait3A_347 = tpu.memref_slice %arg8[%dma_wait3A_345, %dma_wait3A_346] : memref<10240x128xf32, #tpu.memory_space<vmem_shared>> -> memref<10240x128xf32, #tpu.memory_space<vmem_shared>>
      tpu.wait_indirect_dma semaphore(%arg19 : memref<!tpu.dma_semaphore, #tpu.memory_space<semaphore_mem>>) src(%arg14 : memref<80x128xf32, #tpu.memory_space<vmem>>) dst(%dma_wait3A_347 : memref<10240x128xf32, #tpu.memory_space<vmem_shared>>)
      %add3A_348 = arith.constant 1 : i32
      %add3A_349 = arith.addi %add3A_341, %add3A_348 : i32
      %mul3A_350 = arith.constant 10000 : i32
      %mul3A_351 = arith.muli %add3A, %mul3A_350 : i32
      %mul3A_352 = arith.constant 80 : i32
      %mul3A_353 = arith.muli %add3A_349, %mul3A_352 : i32
      %add3A_354 = arith.addi %mul3A_351, %mul3A_353 : i32
      %dma_start3A_355 = tpu.memref_slice %arg4[%add3A_354] : memref<320000xi32, #tpu.memory_space<hbm>> -> memref<80xi32, #tpu.memory_space<hbm>>
      %dma_start3A_356 = tpu.memref_slice %arg4[%add3A_354] : memref<320000xi32, #tpu.memory_space<hbm>> -> memref<80xi32, #tpu.memory_space<hbm>>
      tpu.enqueue_dma source(%dma_start3A_356 : memref<80xi32, #tpu.memory_space<hbm>>) target(%arg9 : memref<80xi32, #tpu.memory_space<vmem>>) target_semaphore(%arg17 : memref<!tpu.dma_semaphore, #tpu.memory_space<semaphore_mem>>)
      %dma_start3A_357 = tpu.memref_slice %arg5[%add3A_354] : memref<320000xi32, #tpu.memory_space<hbm>> -> memref<80xi32, #tpu.memory_space<hbm>>
      %dma_start3A_358 = tpu.memref_slice %arg5[%add3A_354] : memref<320000xi32, #tpu.memory_space<hbm>> -> memref<80xi32, #tpu.memory_space<hbm>>
      tpu.enqueue_dma source(%dma_start3A_358 : memref<80xi32, #tpu.memory_space<hbm>>) target(%arg10 : memref<80xi32, #tpu.memory_space<vmem>>) target_semaphore(%arg17 : memref<!tpu.dma_semaphore, #tpu.memory_space<semaphore_mem>>)
      %dma_wait3A_359 = arith.constant 0 : i32
      %dma_wait3A_360 = arith.constant 0 : i32
      %dma_wait3A_361 = tpu.memref_slice %arg15[%dma_wait3A_359, %dma_wait3A_360] : memref<80x128xf32, #tpu.memory_space<vmem>> -> memref<40x128xf32, #tpu.memory_space<vmem>>
      %dma_wait3A_362 = arith.constant 0 : i32
      %dma_wait3A_363 = arith.constant 0 : i32
      %dma_wait3A_364 = tpu.memref_slice %arg2[%dma_wait3A_362, %dma_wait3A_363] : memref<10000x128xf32, #tpu.memory_space<hbm>> -> memref<40x128xf32, #tpu.memory_space<hbm>>
      %dma_wait3A_365 = arith.constant 0 : i32
      %dma_wait3A_366 = arith.constant 0 : i32
      %dma_wait3A_367 = tpu.memref_slice %arg15[%dma_wait3A_365, %dma_wait3A_366] : memref<80x128xf32, #tpu.memory_space<vmem>> -> memref<40x128xf32, #tpu.memory_space<vmem>>
      %dma_wait3A_368 = arith.constant 0 : i32
      %dma_wait3A_369 = arith.constant 0 : i32
      %dma_wait3A_370 = tpu.memref_slice %arg2[%dma_wait3A_368, %dma_wait3A_369] : memref<10000x128xf32, #tpu.memory_space<hbm>> -> memref<40x128xf32, #tpu.memory_space<hbm>>
      tpu.wait_dma2 semaphore(%arg18 : memref<!tpu.dma_semaphore, #tpu.memory_space<semaphore_mem>>) src(%dma_wait3A_370 : memref<40x128xf32, #tpu.memory_space<hbm>>) dst(%dma_wait3A_367 : memref<40x128xf32, #tpu.memory_space<vmem>>)
      %dma_wait3A_371 = arith.constant 40 : i32
      %dma_wait3A_372 = arith.constant 0 : i32
      %dma_wait3A_373 = tpu.memref_slice %arg15[%dma_wait3A_371, %dma_wait3A_372] : memref<80x128xf32, #tpu.memory_space<vmem>> -> memref<40x128xf32, #tpu.memory_space<vmem>>
      %dma_wait3A_374 = arith.constant 0 : i32
      %dma_wait3A_375 = arith.constant 0 : i32
      %dma_wait3A_376 = tpu.memref_slice %arg2[%dma_wait3A_374, %dma_wait3A_375] : memref<10000x128xf32, #tpu.memory_space<hbm>> -> memref<40x128xf32, #tpu.memory_space<hbm>>
      %dma_wait3A_377 = arith.constant 40 : i32
      %dma_wait3A_378 = arith.constant 0 : i32
      %dma_wait3A_379 = tpu.memref_slice %arg15[%dma_wait3A_377, %dma_wait3A_378] : memref<80x128xf32, #tpu.memory_space<vmem>> -> memref<40x128xf32, #tpu.memory_space<vmem>>
      %dma_wait3A_380 = arith.constant 0 : i32
      %dma_wait3A_381 = arith.constant 0 : i32
      %dma_wait3A_382 = tpu.memref_slice %arg2[%dma_wait3A_380, %dma_wait3A_381] : memref<10000x128xf32, #tpu.memory_space<hbm>> -> memref<40x128xf32, #tpu.memory_space<hbm>>
      tpu.wait_dma2 semaphore(%arg18 : memref<!tpu.dma_semaphore, #tpu.memory_space<semaphore_mem>>) src(%dma_wait3A_382 : memref<40x128xf32, #tpu.memory_space<hbm>>) dst(%dma_wait3A_379 : memref<40x128xf32, #tpu.memory_space<vmem>>)
      %dma_wait3A_383 = arith.constant 0 : i32
      %dma_wait3A_384 = arith.constant 0 : i32
      %dma_wait3A_385 = tpu.memref_slice %arg16[%dma_wait3A_383, %dma_wait3A_384] : memref<80x128xf32, #tpu.memory_space<vmem>> -> memref<40x128xf32, #tpu.memory_space<vmem>>
      %dma_wait3A_386 = arith.constant 0 : i32
      %dma_wait3A_387 = arith.constant 0 : i32
      %dma_wait3A_388 = tpu.memref_slice %arg2[%dma_wait3A_386, %dma_wait3A_387] : memref<10000x128xf32, #tpu.memory_space<hbm>> -> memref<40x128xf32, #tpu.memory_space<hbm>>
      %dma_wait3A_389 = arith.constant 0 : i32
      %dma_wait3A_390 = arith.constant 0 : i32
      %dma_wait3A_391 = tpu.memref_slice %arg16[%dma_wait3A_389, %dma_wait3A_390] : memref<80x128xf32, #tpu.memory_space<vmem>> -> memref<40x128xf32, #tpu.memory_space<vmem>>
      %dma_wait3A_392 = arith.constant 0 : i32
      %dma_wait3A_393 = arith.constant 0 : i32
      %dma_wait3A_394 = tpu.memref_slice %arg2[%dma_wait3A_392, %dma_wait3A_393] : memref<10000x128xf32, #tpu.memory_space<hbm>> -> memref<40x128xf32, #tpu.memory_space<hbm>>
      tpu.wait_dma2 semaphore(%arg18 : memref<!tpu.dma_semaphore, #tpu.memory_space<semaphore_mem>>) src(%dma_wait3A_394 : memref<40x128xf32, #tpu.memory_space<hbm>>) dst(%dma_wait3A_391 : memref<40x128xf32, #tpu.memory_space<vmem>>)
      %dma_wait3A_395 = arith.constant 40 : i32
      %dma_wait3A_396 = arith.constant 0 : i32
      %dma_wait3A_397 = tpu.memref_slice %arg16[%dma_wait3A_395, %dma_wait3A_396] : memref<80x128xf32, #tpu.memory_space<vmem>> -> memref<40x128xf32, #tpu.memory_space<vmem>>
      %dma_wait3A_398 = arith.constant 0 : i32
      %dma_wait3A_399 = arith.constant 0 : i32
      %dma_wait3A_400 = tpu.memref_slice %arg2[%dma_wait3A_398, %dma_wait3A_399] : memref<10000x128xf32, #tpu.memory_space<hbm>> -> memref<40x128xf32, #tpu.memory_space<hbm>>
      %dma_wait3A_401 = arith.constant 40 : i32
      %dma_wait3A_402 = arith.constant 0 : i32
      %dma_wait3A_403 = tpu.memref_slice %arg16[%dma_wait3A_401, %dma_wait3A_402] : memref<80x128xf32, #tpu.memory_space<vmem>> -> memref<40x128xf32, #tpu.memory_space<vmem>>
      %dma_wait3A_404 = arith.constant 0 : i32
      %dma_wait3A_405 = arith.constant 0 : i32
      %dma_wait3A_406 = tpu.memref_slice %arg2[%dma_wait3A_404, %dma_wait3A_405] : memref<10000x128xf32, #tpu.memory_space<hbm>> -> memref<40x128xf32, #tpu.memory_space<hbm>>
      tpu.wait_dma2 semaphore(%arg18 : memref<!tpu.dma_semaphore, #tpu.memory_space<semaphore_mem>>) src(%dma_wait3A_406 : memref<40x128xf32, #tpu.memory_space<hbm>>) dst(%dma_wait3A_403 : memref<40x128xf32, #tpu.memory_space<vmem>>)
      %dma_start3A_407 = arith.constant 0 : i32
      %dma_start3A_408 = arith.constant 0 : i32
      %dma_start3A_409 = tpu.memref_slice %arg8[%dma_start3A_407, %dma_start3A_408] : memref<10240x128xf32, #tpu.memory_space<vmem_shared>> -> memref<10240x128xf32, #tpu.memory_space<vmem_shared>>
      tpu.enqueue_indirect_dma source(%arg15 : memref<80x128xf32, #tpu.memory_space<vmem>>) target(%dma_start3A_409 : memref<10240x128xf32, #tpu.memory_space<vmem_shared>>) offsets(%arg12 : memref<80xi32, #tpu.memory_space<vmem>>) semaphore(%arg19 : memref<!tpu.dma_semaphore, #tpu.memory_space<semaphore_mem>>) {add = true}
      %dma_start3A_410 = arith.constant 0 : i32
      %dma_start3A_411 = arith.constant 0 : i32
      %dma_start3A_412 = tpu.memref_slice %arg8[%dma_start3A_410, %dma_start3A_411] : memref<10240x128xf32, #tpu.memory_space<vmem_shared>> -> memref<10240x128xf32, #tpu.memory_space<vmem_shared>>
      tpu.enqueue_indirect_dma source(%arg16 : memref<80x128xf32, #tpu.memory_space<vmem>>) target(%dma_start3A_412 : memref<10240x128xf32, #tpu.memory_space<vmem_shared>>) offsets(%arg11 : memref<80xi32, #tpu.memory_space<vmem>>) semaphore(%arg19 : memref<!tpu.dma_semaphore, #tpu.memory_space<semaphore_mem>>) {add = true}
      %dma_wait3A_413 = arith.constant 0 : i32
      %dma_wait3A_414 = tpu.memref_slice %arg4[%dma_wait3A_413] : memref<320000xi32, #tpu.memory_space<hbm>> -> memref<80xi32, #tpu.memory_space<hbm>>
      %dma_wait3A_415 = arith.constant 0 : i32
      %dma_wait3A_416 = tpu.memref_slice %arg4[%dma_wait3A_415] : memref<320000xi32, #tpu.memory_space<hbm>> -> memref<80xi32, #tpu.memory_space<hbm>>
      tpu.wait_dma2 semaphore(%arg17 : memref<!tpu.dma_semaphore, #tpu.memory_space<semaphore_mem>>) src(%dma_wait3A_416 : memref<80xi32, #tpu.memory_space<hbm>>) dst(%arg9 : memref<80xi32, #tpu.memory_space<vmem>>)
      %dma_wait3A_417 = arith.constant 0 : i32
      %dma_wait3A_418 = tpu.memref_slice %arg5[%dma_wait3A_417] : memref<320000xi32, #tpu.memory_space<hbm>> -> memref<80xi32, #tpu.memory_space<hbm>>
      %dma_wait3A_419 = arith.constant 0 : i32
      %dma_wait3A_420 = tpu.memref_slice %arg5[%dma_wait3A_419] : memref<320000xi32, #tpu.memory_space<hbm>> -> memref<80xi32, #tpu.memory_space<hbm>>
      tpu.wait_dma2 semaphore(%arg17 : memref<!tpu.dma_semaphore, #tpu.memory_space<semaphore_mem>>) src(%dma_wait3A_420 : memref<80xi32, #tpu.memory_space<hbm>>) dst(%arg10 : memref<80xi32, #tpu.memory_space<vmem>>)
      %add3A_421 = arith.constant 1 : i32
      %add3A_422 = arith.addi %add3A_341, %add3A_421 : i32
      %dma_start3A_423 = arith.constant 0 : i32
      %dma_start3A_424 = arith.constant 0 : i32
      %dma_start3A_425 = tpu.memref_slice %arg13[%dma_start3A_423, %dma_start3A_424] : memref<80x128xf32, #tpu.memory_space<vmem>> -> memref<40x128xf32, #tpu.memory_space<vmem>>
      %dma_start3A_426 = arith.constant 0 : i32
      %dma_start3A_427 = tpu.memref_slice %arg9[%dma_start3A_426] : memref<80xi32, #tpu.memory_space<vmem>> -> memref<40xi32, #tpu.memory_space<vmem>>
      %dma_start3A_428 = arith.constant 0 : i32
      %dma_start3A_429 = arith.constant 0 : i32
      %dma_start3A_430 = tpu.memref_slice %arg2[%dma_start3A_428, %dma_start3A_429] : memref<10000x128xf32, #tpu.memory_space<hbm>> -> memref<10000x128xf32, #tpu.memory_space<hbm>>
      tpu.enqueue_indirect_dma source(%dma_start3A_430 : memref<10000x128xf32, #tpu.memory_space<hbm>>) target(%dma_start3A_425 : memref<40x128xf32, #tpu.memory_space<vmem>>) offsets(%dma_start3A_427 : memref<40xi32, #tpu.memory_space<vmem>>) semaphore(%arg18 : memref<!tpu.dma_semaphore, #tpu.memory_space<semaphore_mem>>)
      %dma_start3A_431 = arith.constant 0 : i32
      %dma_start3A_432 = arith.constant 0 : i32
      %dma_start3A_433 = tpu.memref_slice %arg14[%dma_start3A_431, %dma_start3A_432] : memref<80x128xf32, #tpu.memory_space<vmem>> -> memref<40x128xf32, #tpu.memory_space<vmem>>
      %dma_start3A_434 = arith.constant 0 : i32
      %dma_start3A_435 = tpu.memref_slice %arg10[%dma_start3A_434] : memref<80xi32, #tpu.memory_space<vmem>> -> memref<40xi32, #tpu.memory_space<vmem>>
      %dma_start3A_436 = arith.constant 0 : i32
      %dma_start3A_437 = arith.constant 0 : i32
      %dma_start3A_438 = tpu.memref_slice %arg3[%dma_start3A_436, %dma_start3A_437] : memref<10000x128xf32, #tpu.memory_space<hbm>> -> memref<10000x128xf32, #tpu.memory_space<hbm>>
      tpu.enqueue_indirect_dma source(%dma_start3A_438 : memref<10000x128xf32, #tpu.memory_space<hbm>>) target(%dma_start3A_433 : memref<40x128xf32, #tpu.memory_space<vmem>>) offsets(%dma_start3A_435 : memref<40xi32, #tpu.memory_space<vmem>>) semaphore(%arg18 : memref<!tpu.dma_semaphore, #tpu.memory_space<semaphore_mem>>)
      %dma_start3A_439 = arith.constant 40 : i32
      %dma_start3A_440 = arith.constant 0 : i32
      %dma_start3A_441 = tpu.memref_slice %arg13[%dma_start3A_439, %dma_start3A_440] : memref<80x128xf32, #tpu.memory_space<vmem>> -> memref<40x128xf32, #tpu.memory_space<vmem>>
      %dma_start3A_442 = arith.constant 40 : i32
      %dma_start3A_443 = tpu.memref_slice %arg9[%dma_start3A_442] : memref<80xi32, #tpu.memory_space<vmem>> -> memref<40xi32, #tpu.memory_space<vmem>>
      %dma_start3A_444 = arith.constant 0 : i32
      %dma_start3A_445 = arith.constant 0 : i32
      %dma_start3A_446 = tpu.memref_slice %arg2[%dma_start3A_444, %dma_start3A_445] : memref<10000x128xf32, #tpu.memory_space<hbm>> -> memref<10000x128xf32, #tpu.memory_space<hbm>>
      tpu.enqueue_indirect_dma source(%dma_start3A_446 : memref<10000x128xf32, #tpu.memory_space<hbm>>) target(%dma_start3A_441 : memref<40x128xf32, #tpu.memory_space<vmem>>) offsets(%dma_start3A_443 : memref<40xi32, #tpu.memory_space<vmem>>) semaphore(%arg18 : memref<!tpu.dma_semaphore, #tpu.memory_space<semaphore_mem>>)
      %dma_start3A_447 = arith.constant 40 : i32
      %dma_start3A_448 = arith.constant 0 : i32
      %dma_start3A_449 = tpu.memref_slice %arg14[%dma_start3A_447, %dma_start3A_448] : memref<80x128xf32, #tpu.memory_space<vmem>> -> memref<40x128xf32, #tpu.memory_space<vmem>>
      %dma_start3A_450 = arith.constant 40 : i32
      %dma_start3A_451 = tpu.memref_slice %arg10[%dma_start3A_450] : memref<80xi32, #tpu.memory_space<vmem>> -> memref<40xi32, #tpu.memory_space<vmem>>
      %dma_start3A_452 = arith.constant 0 : i32
      %dma_start3A_453 = arith.constant 0 : i32
      %dma_start3A_454 = tpu.memref_slice %arg3[%dma_start3A_452, %dma_start3A_453] : memref<10000x128xf32, #tpu.memory_space<hbm>> -> memref<10000x128xf32, #tpu.memory_space<hbm>>
      tpu.enqueue_indirect_dma source(%dma_start3A_454 : memref<10000x128xf32, #tpu.memory_space<hbm>>) target(%dma_start3A_449 : memref<40x128xf32, #tpu.memory_space<vmem>>) offsets(%dma_start3A_451 : memref<40xi32, #tpu.memory_space<vmem>>) semaphore(%arg18 : memref<!tpu.dma_semaphore, #tpu.memory_space<semaphore_mem>>)
      %mul3A_455 = arith.constant 2 : i32
      %mul3A_456 = arith.muli %mul3A_455, %scan3A_337 : i32
      %add3A_457 = arith.constant 2 : i32
      %add3A_458 = arith.addi %mul3A_456, %add3A_457 : i32
      %dma_wait3A_459 = arith.constant 0 : i32
      %dma_wait3A_460 = arith.constant 0 : i32
      %dma_wait3A_461 = tpu.memref_slice %arg8[%dma_wait3A_459, %dma_wait3A_460] : memref<10240x128xf32, #tpu.memory_space<vmem_shared>> -> memref<10240x128xf32, #tpu.memory_space<vmem_shared>>
      tpu.wait_indirect_dma semaphore(%arg19 : memref<!tpu.dma_semaphore, #tpu.memory_space<semaphore_mem>>) src(%arg15 : memref<80x128xf32, #tpu.memory_space<vmem>>) dst(%dma_wait3A_461 : memref<10240x128xf32, #tpu.memory_space<vmem_shared>>)
      %dma_wait3A_462 = arith.constant 0 : i32
      %dma_wait3A_463 = arith.constant 0 : i32
      %dma_wait3A_464 = tpu.memref_slice %arg8[%dma_wait3A_462, %dma_wait3A_463] : memref<10240x128xf32, #tpu.memory_space<vmem_shared>> -> memref<10240x128xf32, #tpu.memory_space<vmem_shared>>
      tpu.wait_indirect_dma semaphore(%arg19 : memref<!tpu.dma_semaphore, #tpu.memory_space<semaphore_mem>>) src(%arg16 : memref<80x128xf32, #tpu.memory_space<vmem>>) dst(%dma_wait3A_464 : memref<10240x128xf32, #tpu.memory_space<vmem_shared>>)
      %add3A_465 = arith.constant 1 : i32
      %add3A_466 = arith.addi %add3A_458, %add3A_465 : i32
      %mul3A_467 = arith.constant 10000 : i32
      %mul3A_468 = arith.muli %add3A, %mul3A_467 : i32
      %mul3A_469 = arith.constant 80 : i32
      %mul3A_470 = arith.muli %add3A_466, %mul3A_469 : i32
      %add3A_471 = arith.addi %mul3A_468, %mul3A_470 : i32
      %dma_start3A_472 = tpu.memref_slice %arg4[%add3A_471] : memref<320000xi32, #tpu.memory_space<hbm>> -> memref<80xi32, #tpu.memory_space<hbm>>
      %dma_start3A_473 = tpu.memref_slice %arg4[%add3A_471] : memref<320000xi32, #tpu.memory_space<hbm>> -> memref<80xi32, #tpu.memory_space<hbm>>
      tpu.enqueue_dma source(%dma_start3A_473 : memref<80xi32, #tpu.memory_space<hbm>>) target(%arg11 : memref<80xi32, #tpu.memory_space<vmem>>) target_semaphore(%arg17 : memref<!tpu.dma_semaphore, #tpu.memory_space<semaphore_mem>>)
      %dma_start3A_474 = tpu.memref_slice %arg5[%add3A_471] : memref<320000xi32, #tpu.memory_space<hbm>> -> memref<80xi32, #tpu.memory_space<hbm>>
      %dma_start3A_475 = tpu.memref_slice %arg5[%add3A_471] : memref<320000xi32, #tpu.memory_space<hbm>> -> memref<80xi32, #tpu.memory_space<hbm>>
      tpu.enqueue_dma source(%dma_start3A_475 : memref<80xi32, #tpu.memory_space<hbm>>) target(%arg12 : memref<80xi32, #tpu.memory_space<vmem>>) target_semaphore(%arg17 : memref<!tpu.dma_semaphore, #tpu.memory_space<semaphore_mem>>)
      %dma_wait3A_476 = arith.constant 0 : i32
      %dma_wait3A_477 = arith.constant 0 : i32
      %dma_wait3A_478 = tpu.memref_slice %arg13[%dma_wait3A_476, %dma_wait3A_477] : memref<80x128xf32, #tpu.memory_space<vmem>> -> memref<40x128xf32, #tpu.memory_space<vmem>>
      %dma_wait3A_479 = arith.constant 0 : i32
      %dma_wait3A_480 = arith.constant 0 : i32
      %dma_wait3A_481 = tpu.memref_slice %arg2[%dma_wait3A_479, %dma_wait3A_480] : memref<10000x128xf32, #tpu.memory_space<hbm>> -> memref<40x128xf32, #tpu.memory_space<hbm>>
      %dma_wait3A_482 = arith.constant 0 : i32
      %dma_wait3A_483 = arith.constant 0 : i32
      %dma_wait3A_484 = tpu.memref_slice %arg13[%dma_wait3A_482, %dma_wait3A_483] : memref<80x128xf32, #tpu.memory_space<vmem>> -> memref<40x128xf32, #tpu.memory_space<vmem>>
      %dma_wait3A_485 = arith.constant 0 : i32
      %dma_wait3A_486 = arith.constant 0 : i32
      %dma_wait3A_487 = tpu.memref_slice %arg2[%dma_wait3A_485, %dma_wait3A_486] : memref<10000x128xf32, #tpu.memory_space<hbm>> -> memref<40x128xf32, #tpu.memory_space<hbm>>
      tpu.wait_dma2 semaphore(%arg18 : memref<!tpu.dma_semaphore, #tpu.memory_space<semaphore_mem>>) src(%dma_wait3A_487 : memref<40x128xf32, #tpu.memory_space<hbm>>) dst(%dma_wait3A_484 : memref<40x128xf32, #tpu.memory_space<vmem>>)
      %dma_wait3A_488 = arith.constant 40 : i32
      %dma_wait3A_489 = arith.constant 0 : i32
      %dma_wait3A_490 = tpu.memref_slice %arg13[%dma_wait3A_488, %dma_wait3A_489] : memref<80x128xf32, #tpu.memory_space<vmem>> -> memref<40x128xf32, #tpu.memory_space<vmem>>
      %dma_wait3A_491 = arith.constant 0 : i32
      %dma_wait3A_492 = arith.constant 0 : i32
      %dma_wait3A_493 = tpu.memref_slice %arg2[%dma_wait3A_491, %dma_wait3A_492] : memref<10000x128xf32, #tpu.memory_space<hbm>> -> memref<40x128xf32, #tpu.memory_space<hbm>>
      %dma_wait3A_494 = arith.constant 40 : i32
      %dma_wait3A_495 = arith.constant 0 : i32
      %dma_wait3A_496 = tpu.memref_slice %arg13[%dma_wait3A_494, %dma_wait3A_495] : memref<80x128xf32, #tpu.memory_space<vmem>> -> memref<40x128xf32, #tpu.memory_space<vmem>>
      %dma_wait3A_497 = arith.constant 0 : i32
      %dma_wait3A_498 = arith.constant 0 : i32
      %dma_wait3A_499 = tpu.memref_slice %arg2[%dma_wait3A_497, %dma_wait3A_498] : memref<10000x128xf32, #tpu.memory_space<hbm>> -> memref<40x128xf32, #tpu.memory_space<hbm>>
      tpu.wait_dma2 semaphore(%arg18 : memref<!tpu.dma_semaphore, #tpu.memory_space<semaphore_mem>>) src(%dma_wait3A_499 : memref<40x128xf32, #tpu.memory_space<hbm>>) dst(%dma_wait3A_496 : memref<40x128xf32, #tpu.memory_space<vmem>>)
      %dma_wait3A_500 = arith.constant 0 : i32
      %dma_wait3A_501 = arith.constant 0 : i32
      %dma_wait3A_502 = tpu.memref_slice %arg14[%dma_wait3A_500, %dma_wait3A_501] : memref<80x128xf32, #tpu.memory_space<vmem>> -> memref<40x128xf32, #tpu.memory_space<vmem>>
      %dma_wait3A_503 = arith.constant 0 : i32
      %dma_wait3A_504 = arith.constant 0 : i32
      %dma_wait3A_505 = tpu.memref_slice %arg2[%dma_wait3A_503, %dma_wait3A_504] : memref<10000x128xf32, #tpu.memory_space<hbm>> -> memref<40x128xf32, #tpu.memory_space<hbm>>
      %dma_wait3A_506 = arith.constant 0 : i32
      %dma_wait3A_507 = arith.constant 0 : i32
      %dma_wait3A_508 = tpu.memref_slice %arg14[%dma_wait3A_506, %dma_wait3A_507] : memref<80x128xf32, #tpu.memory_space<vmem>> -> memref<40x128xf32, #tpu.memory_space<vmem>>
      %dma_wait3A_509 = arith.constant 0 : i32
      %dma_wait3A_510 = arith.constant 0 : i32
      %dma_wait3A_511 = tpu.memref_slice %arg2[%dma_wait3A_509, %dma_wait3A_510] : memref<10000x128xf32, #tpu.memory_space<hbm>> -> memref<40x128xf32, #tpu.memory_space<hbm>>
      tpu.wait_dma2 semaphore(%arg18 : memref<!tpu.dma_semaphore, #tpu.memory_space<semaphore_mem>>) src(%dma_wait3A_511 : memref<40x128xf32, #tpu.memory_space<hbm>>) dst(%dma_wait3A_508 : memref<40x128xf32, #tpu.memory_space<vmem>>)
      %dma_wait3A_512 = arith.constant 40 : i32
      %dma_wait3A_513 = arith.constant 0 : i32
      %dma_wait3A_514 = tpu.memref_slice %arg14[%dma_wait3A_512, %dma_wait3A_513] : memref<80x128xf32, #tpu.memory_space<vmem>> -> memref<40x128xf32, #tpu.memory_space<vmem>>
      %dma_wait3A_515 = arith.constant 0 : i32
      %dma_wait3A_516 = arith.constant 0 : i32
      %dma_wait3A_517 = tpu.memref_slice %arg2[%dma_wait3A_515, %dma_wait3A_516] : memref<10000x128xf32, #tpu.memory_space<hbm>> -> memref<40x128xf32, #tpu.memory_space<hbm>>
      %dma_wait3A_518 = arith.constant 40 : i32
      %dma_wait3A_519 = arith.constant 0 : i32
      %dma_wait3A_520 = tpu.memref_slice %arg14[%dma_wait3A_518, %dma_wait3A_519] : memref<80x128xf32, #tpu.memory_space<vmem>> -> memref<40x128xf32, #tpu.memory_space<vmem>>
      %dma_wait3A_521 = arith.constant 0 : i32
      %dma_wait3A_522 = arith.constant 0 : i32
      %dma_wait3A_523 = tpu.memref_slice %arg2[%dma_wait3A_521, %dma_wait3A_522] : memref<10000x128xf32, #tpu.memory_space<hbm>> -> memref<40x128xf32, #tpu.memory_space<hbm>>
      tpu.wait_dma2 semaphore(%arg18 : memref<!tpu.dma_semaphore, #tpu.memory_space<semaphore_mem>>) src(%dma_wait3A_523 : memref<40x128xf32, #tpu.memory_space<hbm>>) dst(%dma_wait3A_520 : memref<40x128xf32, #tpu.memory_space<vmem>>)
      %dma_start3A_524 = arith.constant 0 : i32
      %dma_start3A_525 = arith.constant 0 : i32
      %dma_start3A_526 = tpu.memref_slice %arg8[%dma_start3A_524, %dma_start3A_525] : memref<10240x128xf32, #tpu.memory_space<vmem_shared>> -> memref<10240x128xf32, #tpu.memory_space<vmem_shared>>
      tpu.enqueue_indirect_dma source(%arg13 : memref<80x128xf32, #tpu.memory_space<vmem>>) target(%dma_start3A_526 : memref<10240x128xf32, #tpu.memory_space<vmem_shared>>) offsets(%arg10 : memref<80xi32, #tpu.memory_space<vmem>>) semaphore(%arg19 : memref<!tpu.dma_semaphore, #tpu.memory_space<semaphore_mem>>) {add = true}
      %dma_start3A_527 = arith.constant 0 : i32
      %dma_start3A_528 = arith.constant 0 : i32
      %dma_start3A_529 = tpu.memref_slice %arg8[%dma_start3A_527, %dma_start3A_528] : memref<10240x128xf32, #tpu.memory_space<vmem_shared>> -> memref<10240x128xf32, #tpu.memory_space<vmem_shared>>
      tpu.enqueue_indirect_dma source(%arg14 : memref<80x128xf32, #tpu.memory_space<vmem>>) target(%dma_start3A_529 : memref<10240x128xf32, #tpu.memory_space<vmem_shared>>) offsets(%arg9 : memref<80xi32, #tpu.memory_space<vmem>>) semaphore(%arg19 : memref<!tpu.dma_semaphore, #tpu.memory_space<semaphore_mem>>) {add = true}
      %dma_wait3A_530 = arith.constant 0 : i32
      %dma_wait3A_531 = tpu.memref_slice %arg4[%dma_wait3A_530] : memref<320000xi32, #tpu.memory_space<hbm>> -> memref<80xi32, #tpu.memory_space<hbm>>
      %dma_wait3A_532 = arith.constant 0 : i32
      %dma_wait3A_533 = tpu.memref_slice %arg4[%dma_wait3A_532] : memref<320000xi32, #tpu.memory_space<hbm>> -> memref<80xi32, #tpu.memory_space<hbm>>
      tpu.wait_dma2 semaphore(%arg17 : memref<!tpu.dma_semaphore, #tpu.memory_space<semaphore_mem>>) src(%dma_wait3A_533 : memref<80xi32, #tpu.memory_space<hbm>>) dst(%arg11 : memref<80xi32, #tpu.memory_space<vmem>>)
      %dma_wait3A_534 = arith.constant 0 : i32
      %dma_wait3A_535 = tpu.memref_slice %arg5[%dma_wait3A_534] : memref<320000xi32, #tpu.memory_space<hbm>> -> memref<80xi32, #tpu.memory_space<hbm>>
      %dma_wait3A_536 = arith.constant 0 : i32
      %dma_wait3A_537 = tpu.memref_slice %arg5[%dma_wait3A_536] : memref<320000xi32, #tpu.memory_space<hbm>> -> memref<80xi32, #tpu.memory_space<hbm>>
      tpu.wait_dma2 semaphore(%arg17 : memref<!tpu.dma_semaphore, #tpu.memory_space<semaphore_mem>>) src(%dma_wait3A_537 : memref<80xi32, #tpu.memory_space<hbm>>) dst(%arg12 : memref<80xi32, #tpu.memory_space<vmem>>)
      %add3A_538 = arith.constant 1 : i32
      %add3A_539 = arith.addi %add3A_458, %add3A_538 : i32
      %dma_start3A_540 = arith.constant 0 : i32
      %dma_start3A_541 = arith.constant 0 : i32
      %dma_start3A_542 = tpu.memref_slice %arg15[%dma_start3A_540, %dma_start3A_541] : memref<80x128xf32, #tpu.memory_space<vmem>> -> memref<40x128xf32, #tpu.memory_space<vmem>>
      %dma_start3A_543 = arith.constant 0 : i32
      %dma_start3A_544 = tpu.memref_slice %arg11[%dma_start3A_543] : memref<80xi32, #tpu.memory_space<vmem>> -> memref<40xi32, #tpu.memory_space<vmem>>
      %dma_start3A_545 = arith.constant 0 : i32
      %dma_start3A_546 = arith.constant 0 : i32
      %dma_start3A_547 = tpu.memref_slice %arg2[%dma_start3A_545, %dma_start3A_546] : memref<10000x128xf32, #tpu.memory_space<hbm>> -> memref<10000x128xf32, #tpu.memory_space<hbm>>
      tpu.enqueue_indirect_dma source(%dma_start3A_547 : memref<10000x128xf32, #tpu.memory_space<hbm>>) target(%dma_start3A_542 : memref<40x128xf32, #tpu.memory_space<vmem>>) offsets(%dma_start3A_544 : memref<40xi32, #tpu.memory_space<vmem>>) semaphore(%arg18 : memref<!tpu.dma_semaphore, #tpu.memory_space<semaphore_mem>>)
      %dma_start3A_548 = arith.constant 0 : i32
      %dma_start3A_549 = arith.constant 0 : i32
      %dma_start3A_550 = tpu.memref_slice %arg16[%dma_start3A_548, %dma_start3A_549] : memref<80x128xf32, #tpu.memory_space<vmem>> -> memref<40x128xf32, #tpu.memory_space<vmem>>
      %dma_start3A_551 = arith.constant 0 : i32
      %dma_start3A_552 = tpu.memref_slice %arg12[%dma_start3A_551] : memref<80xi32, #tpu.memory_space<vmem>> -> memref<40xi32, #tpu.memory_space<vmem>>
      %dma_start3A_553 = arith.constant 0 : i32
      %dma_start3A_554 = arith.constant 0 : i32
      %dma_start3A_555 = tpu.memref_slice %arg3[%dma_start3A_553, %dma_start3A_554] : memref<10000x128xf32, #tpu.memory_space<hbm>> -> memref<10000x128xf32, #tpu.memory_space<hbm>>
      tpu.enqueue_indirect_dma source(%dma_start3A_555 : memref<10000x128xf32, #tpu.memory_space<hbm>>) target(%dma_start3A_550 : memref<40x128xf32, #tpu.memory_space<vmem>>) offsets(%dma_start3A_552 : memref<40xi32, #tpu.memory_space<vmem>>) semaphore(%arg18 : memref<!tpu.dma_semaphore, #tpu.memory_space<semaphore_mem>>)
      %dma_start3A_556 = arith.constant 40 : i32
      %dma_start3A_557 = arith.constant 0 : i32
      %dma_start3A_558 = tpu.memref_slice %arg15[%dma_start3A_556, %dma_start3A_557] : memref<80x128xf32, #tpu.memory_space<vmem>> -> memref<40x128xf32, #tpu.memory_space<vmem>>
      %dma_start3A_559 = arith.constant 40 : i32
      %dma_start3A_560 = tpu.memref_slice %arg11[%dma_start3A_559] : memref<80xi32, #tpu.memory_space<vmem>> -> memref<40xi32, #tpu.memory_space<vmem>>
      %dma_start3A_561 = arith.constant 0 : i32
      %dma_start3A_562 = arith.constant 0 : i32
      %dma_start3A_563 = tpu.memref_slice %arg2[%dma_start3A_561, %dma_start3A_562] : memref<10000x128xf32, #tpu.memory_space<hbm>> -> memref<10000x128xf32, #tpu.memory_space<hbm>>
      tpu.enqueue_indirect_dma source(%dma_start3A_563 : memref<10000x128xf32, #tpu.memory_space<hbm>>) target(%dma_start3A_558 : memref<40x128xf32, #tpu.memory_space<vmem>>) offsets(%dma_start3A_560 : memref<40xi32, #tpu.memory_space<vmem>>) semaphore(%arg18 : memref<!tpu.dma_semaphore, #tpu.memory_space<semaphore_mem>>)
      %dma_start3A_564 = arith.constant 40 : i32
      %dma_start3A_565 = arith.constant 0 : i32
      %dma_start3A_566 = tpu.memref_slice %arg16[%dma_start3A_564, %dma_start3A_565] : memref<80x128xf32, #tpu.memory_space<vmem>> -> memref<40x128xf32, #tpu.memory_space<vmem>>
      %dma_start3A_567 = arith.constant 40 : i32
      %dma_start3A_568 = tpu.memref_slice %arg12[%dma_start3A_567] : memref<80xi32, #tpu.memory_space<vmem>> -> memref<40xi32, #tpu.memory_space<vmem>>
      %dma_start3A_569 = arith.constant 0 : i32
      %dma_start3A_570 = arith.constant 0 : i32
      %dma_start3A_571 = tpu.memref_slice %arg3[%dma_start3A_569, %dma_start3A_570] : memref<10000x128xf32, #tpu.memory_space<hbm>> -> memref<10000x128xf32, #tpu.memory_space<hbm>>
      tpu.enqueue_indirect_dma source(%dma_start3A_571 : memref<10000x128xf32, #tpu.memory_space<hbm>>) target(%dma_start3A_566 : memref<40x128xf32, #tpu.memory_space<vmem>>) offsets(%dma_start3A_568 : memref<40xi32, #tpu.memory_space<vmem>>) semaphore(%arg18 : memref<!tpu.dma_semaphore, #tpu.memory_space<semaphore_mem>>)
    }
    %scan3A_157 = arith.constant 61 : i32
    %dma_wait3A_158 = arith.constant 0 : i32
    %dma_wait3A_159 = arith.constant 0 : i32
    %dma_wait3A_160 = tpu.memref_slice %arg8[%dma_wait3A_158, %dma_wait3A_159] : memref<10240x128xf32, #tpu.memory_space<vmem_shared>> -> memref<10240x128xf32, #tpu.memory_space<vmem_shared>>
    tpu.wait_indirect_dma semaphore(%arg19 : memref<!tpu.dma_semaphore, #tpu.memory_space<semaphore_mem>>) src(%arg13 : memref<80x128xf32, #tpu.memory_space<vmem>>) dst(%dma_wait3A_160 : memref<10240x128xf32, #tpu.memory_space<vmem_shared>>)
    %dma_wait3A_161 = arith.constant 0 : i32
    %dma_wait3A_162 = arith.constant 0 : i32
    %dma_wait3A_163 = tpu.memref_slice %arg8[%dma_wait3A_161, %dma_wait3A_162] : memref<10240x128xf32, #tpu.memory_space<vmem_shared>> -> memref<10240x128xf32, #tpu.memory_space<vmem_shared>>
    tpu.wait_indirect_dma semaphore(%arg19 : memref<!tpu.dma_semaphore, #tpu.memory_space<semaphore_mem>>) src(%arg14 : memref<80x128xf32, #tpu.memory_space<vmem>>) dst(%dma_wait3A_163 : memref<10240x128xf32, #tpu.memory_space<vmem_shared>>)
    %mul3A_164 = arith.constant 10000 : i32
    %mul3A_165 = arith.muli %add3A, %mul3A_164 : i32
    %add3A_166 = arith.constant 9920 : i32
    %add3A_167 = arith.addi %mul3A_165, %add3A_166 : i32
    %dma_start3A_168 = tpu.memref_slice %arg4[%add3A_167] : memref<320000xi32, #tpu.memory_space<hbm>> -> memref<80xi32, #tpu.memory_space<hbm>>
    %dma_start3A_169 = tpu.memref_slice %arg4[%add3A_167] : memref<320000xi32, #tpu.memory_space<hbm>> -> memref<80xi32, #tpu.memory_space<hbm>>
    tpu.enqueue_dma source(%dma_start3A_169 : memref<80xi32, #tpu.memory_space<hbm>>) target(%arg9 : memref<80xi32, #tpu.memory_space<vmem>>) target_semaphore(%arg17 : memref<!tpu.dma_semaphore, #tpu.memory_space<semaphore_mem>>)
    %dma_start3A_170 = tpu.memref_slice %arg5[%add3A_167] : memref<320000xi32, #tpu.memory_space<hbm>> -> memref<80xi32, #tpu.memory_space<hbm>>
    %dma_start3A_171 = tpu.memref_slice %arg5[%add3A_167] : memref<320000xi32, #tpu.memory_space<hbm>> -> memref<80xi32, #tpu.memory_space<hbm>>
    tpu.enqueue_dma source(%dma_start3A_171 : memref<80xi32, #tpu.memory_space<hbm>>) target(%arg10 : memref<80xi32, #tpu.memory_space<vmem>>) target_semaphore(%arg17 : memref<!tpu.dma_semaphore, #tpu.memory_space<semaphore_mem>>)
    %dma_wait3A_172 = arith.constant 0 : i32
    %dma_wait3A_173 = arith.constant 0 : i32
    %dma_wait3A_174 = tpu.memref_slice %arg15[%dma_wait3A_172, %dma_wait3A_173] : memref<80x128xf32, #tpu.memory_space<vmem>> -> memref<40x128xf32, #tpu.memory_space<vmem>>
    %dma_wait3A_175 = arith.constant 0 : i32
    %dma_wait3A_176 = arith.constant 0 : i32
    %dma_wait3A_177 = tpu.memref_slice %arg2[%dma_wait3A_175, %dma_wait3A_176] : memref<10000x128xf32, #tpu.memory_space<hbm>> -> memref<40x128xf32, #tpu.memory_space<hbm>>
    %dma_wait3A_178 = arith.constant 0 : i32
    %dma_wait3A_179 = arith.constant 0 : i32
    %dma_wait3A_180 = tpu.memref_slice %arg15[%dma_wait3A_178, %dma_wait3A_179] : memref<80x128xf32, #tpu.memory_space<vmem>> -> memref<40x128xf32, #tpu.memory_space<vmem>>
    %dma_wait3A_181 = arith.constant 0 : i32
    %dma_wait3A_182 = arith.constant 0 : i32
    %dma_wait3A_183 = tpu.memref_slice %arg2[%dma_wait3A_181, %dma_wait3A_182] : memref<10000x128xf32, #tpu.memory_space<hbm>> -> memref<40x128xf32, #tpu.memory_space<hbm>>
    tpu.wait_dma2 semaphore(%arg18 : memref<!tpu.dma_semaphore, #tpu.memory_space<semaphore_mem>>) src(%dma_wait3A_183 : memref<40x128xf32, #tpu.memory_space<hbm>>) dst(%dma_wait3A_180 : memref<40x128xf32, #tpu.memory_space<vmem>>)
    %dma_wait3A_184 = arith.constant 40 : i32
    %dma_wait3A_185 = arith.constant 0 : i32
    %dma_wait3A_186 = tpu.memref_slice %arg15[%dma_wait3A_184, %dma_wait3A_185] : memref<80x128xf32, #tpu.memory_space<vmem>> -> memref<40x128xf32, #tpu.memory_space<vmem>>
    %dma_wait3A_187 = arith.constant 0 : i32
    %dma_wait3A_188 = arith.constant 0 : i32
    %dma_wait3A_189 = tpu.memref_slice %arg2[%dma_wait3A_187, %dma_wait3A_188] : memref<10000x128xf32, #tpu.memory_space<hbm>> -> memref<40x128xf32, #tpu.memory_space<hbm>>
    %dma_wait3A_190 = arith.constant 40 : i32
    %dma_wait3A_191 = arith.constant 0 : i32
    %dma_wait3A_192 = tpu.memref_slice %arg15[%dma_wait3A_190, %dma_wait3A_191] : memref<80x128xf32, #tpu.memory_space<vmem>> -> memref<40x128xf32, #tpu.memory_space<vmem>>
    %dma_wait3A_193 = arith.constant 0 : i32
    %dma_wait3A_194 = arith.constant 0 : i32
    %dma_wait3A_195 = tpu.memref_slice %arg2[%dma_wait3A_193, %dma_wait3A_194] : memref<10000x128xf32, #tpu.memory_space<hbm>> -> memref<40x128xf32, #tpu.memory_space<hbm>>
    tpu.wait_dma2 semaphore(%arg18 : memref<!tpu.dma_semaphore, #tpu.memory_space<semaphore_mem>>) src(%dma_wait3A_195 : memref<40x128xf32, #tpu.memory_space<hbm>>) dst(%dma_wait3A_192 : memref<40x128xf32, #tpu.memory_space<vmem>>)
    %dma_wait3A_196 = arith.constant 0 : i32
    %dma_wait3A_197 = arith.constant 0 : i32
    %dma_wait3A_198 = tpu.memref_slice %arg16[%dma_wait3A_196, %dma_wait3A_197] : memref<80x128xf32, #tpu.memory_space<vmem>> -> memref<40x128xf32, #tpu.memory_space<vmem>>
    %dma_wait3A_199 = arith.constant 0 : i32
    %dma_wait3A_200 = arith.constant 0 : i32
    %dma_wait3A_201 = tpu.memref_slice %arg2[%dma_wait3A_199, %dma_wait3A_200] : memref<10000x128xf32, #tpu.memory_space<hbm>> -> memref<40x128xf32, #tpu.memory_space<hbm>>
    %dma_wait3A_202 = arith.constant 0 : i32
    %dma_wait3A_203 = arith.constant 0 : i32
    %dma_wait3A_204 = tpu.memref_slice %arg16[%dma_wait3A_202, %dma_wait3A_203] : memref<80x128xf32, #tpu.memory_space<vmem>> -> memref<40x128xf32, #tpu.memory_space<vmem>>
    %dma_wait3A_205 = arith.constant 0 : i32
    %dma_wait3A_206 = arith.constant 0 : i32
    %dma_wait3A_207 = tpu.memref_slice %arg2[%dma_wait3A_205, %dma_wait3A_206] : memref<10000x128xf32, #tpu.memory_space<hbm>> -> memref<40x128xf32, #tpu.memory_space<hbm>>
    tpu.wait_dma2 semaphore(%arg18 : memref<!tpu.dma_semaphore, #tpu.memory_space<semaphore_mem>>) src(%dma_wait3A_207 : memref<40x128xf32, #tpu.memory_space<hbm>>) dst(%dma_wait3A_204 : memref<40x128xf32, #tpu.memory_space<vmem>>)
    %dma_wait3A_208 = arith.constant 40 : i32
    %dma_wait3A_209 = arith.constant 0 : i32
    %dma_wait3A_210 = tpu.memref_slice %arg16[%dma_wait3A_208, %dma_wait3A_209] : memref<80x128xf32, #tpu.memory_space<vmem>> -> memref<40x128xf32, #tpu.memory_space<vmem>>
    %dma_wait3A_211 = arith.constant 0 : i32
    %dma_wait3A_212 = arith.constant 0 : i32
    %dma_wait3A_213 = tpu.memref_slice %arg2[%dma_wait3A_211, %dma_wait3A_212] : memref<10000x128xf32, #tpu.memory_space<hbm>> -> memref<40x128xf32, #tpu.memory_space<hbm>>
    %dma_wait3A_214 = arith.constant 40 : i32
    %dma_wait3A_215 = arith.constant 0 : i32
    %dma_wait3A_216 = tpu.memref_slice %arg16[%dma_wait3A_214, %dma_wait3A_215] : memref<80x128xf32, #tpu.memory_space<vmem>> -> memref<40x128xf32, #tpu.memory_space<vmem>>
    %dma_wait3A_217 = arith.constant 0 : i32
    %dma_wait3A_218 = arith.constant 0 : i32
    %dma_wait3A_219 = tpu.memref_slice %arg2[%dma_wait3A_217, %dma_wait3A_218] : memref<10000x128xf32, #tpu.memory_space<hbm>> -> memref<40x128xf32, #tpu.memory_space<hbm>>
    tpu.wait_dma2 semaphore(%arg18 : memref<!tpu.dma_semaphore, #tpu.memory_space<semaphore_mem>>) src(%dma_wait3A_219 : memref<40x128xf32, #tpu.memory_space<hbm>>) dst(%dma_wait3A_216 : memref<40x128xf32, #tpu.memory_space<vmem>>)
    %dma_start3A_220 = arith.constant 0 : i32
    %dma_start3A_221 = arith.constant 0 : i32
    %dma_start3A_222 = tpu.memref_slice %arg8[%dma_start3A_220, %dma_start3A_221] : memref<10240x128xf32, #tpu.memory_space<vmem_shared>> -> memref<10240x128xf32, #tpu.memory_space<vmem_shared>>
    tpu.enqueue_indirect_dma source(%arg15 : memref<80x128xf32, #tpu.memory_space<vmem>>) target(%dma_start3A_222 : memref<10240x128xf32, #tpu.memory_space<vmem_shared>>) offsets(%arg12 : memref<80xi32, #tpu.memory_space<vmem>>) semaphore(%arg19 : memref<!tpu.dma_semaphore, #tpu.memory_space<semaphore_mem>>) {add = true}
    %dma_start3A_223 = arith.constant 0 : i32
    %dma_start3A_224 = arith.constant 0 : i32
    %dma_start3A_225 = tpu.memref_slice %arg8[%dma_start3A_223, %dma_start3A_224] : memref<10240x128xf32, #tpu.memory_space<vmem_shared>> -> memref<10240x128xf32, #tpu.memory_space<vmem_shared>>
    tpu.enqueue_indirect_dma source(%arg16 : memref<80x128xf32, #tpu.memory_space<vmem>>) target(%dma_start3A_225 : memref<10240x128xf32, #tpu.memory_space<vmem_shared>>) offsets(%arg11 : memref<80xi32, #tpu.memory_space<vmem>>) semaphore(%arg19 : memref<!tpu.dma_semaphore, #tpu.memory_space<semaphore_mem>>) {add = true}
    %dma_wait3A_226 = arith.constant 0 : i32
    %dma_wait3A_227 = tpu.memref_slice %arg4[%dma_wait3A_226] : memref<320000xi32, #tpu.memory_space<hbm>> -> memref<80xi32, #tpu.memory_space<hbm>>
    %dma_wait3A_228 = arith.constant 0 : i32
    %dma_wait3A_229 = tpu.memref_slice %arg4[%dma_wait3A_228] : memref<320000xi32, #tpu.memory_space<hbm>> -> memref<80xi32, #tpu.memory_space<hbm>>
    tpu.wait_dma2 semaphore(%arg17 : memref<!tpu.dma_semaphore, #tpu.memory_space<semaphore_mem>>) src(%dma_wait3A_229 : memref<80xi32, #tpu.memory_space<hbm>>) dst(%arg9 : memref<80xi32, #tpu.memory_space<vmem>>)
    %dma_wait3A_230 = arith.constant 0 : i32
    %dma_wait3A_231 = tpu.memref_slice %arg5[%dma_wait3A_230] : memref<320000xi32, #tpu.memory_space<hbm>> -> memref<80xi32, #tpu.memory_space<hbm>>
    %dma_wait3A_232 = arith.constant 0 : i32
    %dma_wait3A_233 = tpu.memref_slice %arg5[%dma_wait3A_232] : memref<320000xi32, #tpu.memory_space<hbm>> -> memref<80xi32, #tpu.memory_space<hbm>>
    tpu.wait_dma2 semaphore(%arg17 : memref<!tpu.dma_semaphore, #tpu.memory_space<semaphore_mem>>) src(%dma_wait3A_233 : memref<80xi32, #tpu.memory_space<hbm>>) dst(%arg10 : memref<80xi32, #tpu.memory_space<vmem>>)
    %dma_start3A_234 = arith.constant 0 : i32
    %dma_start3A_235 = arith.constant 0 : i32
    %dma_start3A_236 = tpu.memref_slice %arg13[%dma_start3A_234, %dma_start3A_235] : memref<80x128xf32, #tpu.memory_space<vmem>> -> memref<40x128xf32, #tpu.memory_space<vmem>>
    %dma_start3A_237 = arith.constant 0 : i32
    %dma_start3A_238 = tpu.memref_slice %arg9[%dma_start3A_237] : memref<80xi32, #tpu.memory_space<vmem>> -> memref<40xi32, #tpu.memory_space<vmem>>
    %dma_start3A_239 = arith.constant 0 : i32
    %dma_start3A_240 = arith.constant 0 : i32
    %dma_start3A_241 = tpu.memref_slice %arg2[%dma_start3A_239, %dma_start3A_240] : memref<10000x128xf32, #tpu.memory_space<hbm>> -> memref<10000x128xf32, #tpu.memory_space<hbm>>
    tpu.enqueue_indirect_dma source(%dma_start3A_241 : memref<10000x128xf32, #tpu.memory_space<hbm>>) target(%dma_start3A_236 : memref<40x128xf32, #tpu.memory_space<vmem>>) offsets(%dma_start3A_238 : memref<40xi32, #tpu.memory_space<vmem>>) semaphore(%arg18 : memref<!tpu.dma_semaphore, #tpu.memory_space<semaphore_mem>>)
    %dma_start3A_242 = arith.constant 0 : i32
    %dma_start3A_243 = arith.constant 0 : i32
    %dma_start3A_244 = tpu.memref_slice %arg14[%dma_start3A_242, %dma_start3A_243] : memref<80x128xf32, #tpu.memory_space<vmem>> -> memref<40x128xf32, #tpu.memory_space<vmem>>
    %dma_start3A_245 = arith.constant 0 : i32
    %dma_start3A_246 = tpu.memref_slice %arg10[%dma_start3A_245] : memref<80xi32, #tpu.memory_space<vmem>> -> memref<40xi32, #tpu.memory_space<vmem>>
    %dma_start3A_247 = arith.constant 0 : i32
    %dma_start3A_248 = arith.constant 0 : i32
    %dma_start3A_249 = tpu.memref_slice %arg3[%dma_start3A_247, %dma_start3A_248] : memref<10000x128xf32, #tpu.memory_space<hbm>> -> memref<10000x128xf32, #tpu.memory_space<hbm>>
    tpu.enqueue_indirect_dma source(%dma_start3A_249 : memref<10000x128xf32, #tpu.memory_space<hbm>>) target(%dma_start3A_244 : memref<40x128xf32, #tpu.memory_space<vmem>>) offsets(%dma_start3A_246 : memref<40xi32, #tpu.memory_space<vmem>>) semaphore(%arg18 : memref<!tpu.dma_semaphore, #tpu.memory_space<semaphore_mem>>)
    %dma_start3A_250 = arith.constant 40 : i32
    %dma_start3A_251 = arith.constant 0 : i32
    %dma_start3A_252 = tpu.memref_slice %arg13[%dma_start3A_250, %dma_start3A_251] : memref<80x128xf32, #tpu.memory_space<vmem>> -> memref<40x128xf32, #tpu.memory_space<vmem>>
    %dma_start3A_253 = arith.constant 40 : i32
    %dma_start3A_254 = tpu.memref_slice %arg9[%dma_start3A_253] : memref<80xi32, #tpu.memory_space<vmem>> -> memref<40xi32, #tpu.memory_space<vmem>>
    %dma_start3A_255 = arith.constant 0 : i32
    %dma_start3A_256 = arith.constant 0 : i32
    %dma_start3A_257 = tpu.memref_slice %arg2[%dma_start3A_255, %dma_start3A_256] : memref<10000x128xf32, #tpu.memory_space<hbm>> -> memref<10000x128xf32, #tpu.memory_space<hbm>>
    tpu.enqueue_indirect_dma source(%dma_start3A_257 : memref<10000x128xf32, #tpu.memory_space<hbm>>) target(%dma_start3A_252 : memref<40x128xf32, #tpu.memory_space<vmem>>) offsets(%dma_start3A_254 : memref<40xi32, #tpu.memory_space<vmem>>) semaphore(%arg18 : memref<!tpu.dma_semaphore, #tpu.memory_space<semaphore_mem>>)
    %dma_start3A_258 = arith.constant 40 : i32
    %dma_start3A_259 = arith.constant 0 : i32
    %dma_start3A_260 = tpu.memref_slice %arg14[%dma_start3A_258, %dma_start3A_259] : memref<80x128xf32, #tpu.memory_space<vmem>> -> memref<40x128xf32, #tpu.memory_space<vmem>>
    %dma_start3A_261 = arith.constant 40 : i32
    %dma_start3A_262 = tpu.memref_slice %arg10[%dma_start3A_261] : memref<80xi32, #tpu.memory_space<vmem>> -> memref<40xi32, #tpu.memory_space<vmem>>
    %dma_start3A_263 = arith.constant 0 : i32
    %dma_start3A_264 = arith.constant 0 : i32
    %dma_start3A_265 = tpu.memref_slice %arg3[%dma_start3A_263, %dma_start3A_264] : memref<10000x128xf32, #tpu.memory_space<hbm>> -> memref<10000x128xf32, #tpu.memory_space<hbm>>
    tpu.enqueue_indirect_dma source(%dma_start3A_265 : memref<10000x128xf32, #tpu.memory_space<hbm>>) target(%dma_start3A_260 : memref<40x128xf32, #tpu.memory_space<vmem>>) offsets(%dma_start3A_262 : memref<40xi32, #tpu.memory_space<vmem>>) semaphore(%arg18 : memref<!tpu.dma_semaphore, #tpu.memory_space<semaphore_mem>>)
    %dma_wait3A_266 = arith.constant 0 : i32
    %dma_wait3A_267 = arith.constant 0 : i32
    %dma_wait3A_268 = tpu.memref_slice %arg8[%dma_wait3A_266, %dma_wait3A_267] : memref<10240x128xf32, #tpu.memory_space<vmem_shared>> -> memref<10240x128xf32, #tpu.memory_space<vmem_shared>>
    tpu.wait_indirect_dma semaphore(%arg19 : memref<!tpu.dma_semaphore, #tpu.memory_space<semaphore_mem>>) src(%arg15 : memref<80x128xf32, #tpu.memory_space<vmem>>) dst(%dma_wait3A_268 : memref<10240x128xf32, #tpu.memory_space<vmem_shared>>)
    %dma_wait3A_269 = arith.constant 0 : i32
    %dma_wait3A_270 = arith.constant 0 : i32
    %dma_wait3A_271 = tpu.memref_slice %arg8[%dma_wait3A_269, %dma_wait3A_270] : memref<10240x128xf32, #tpu.memory_space<vmem_shared>> -> memref<10240x128xf32, #tpu.memory_space<vmem_shared>>
    tpu.wait_indirect_dma semaphore(%arg19 : memref<!tpu.dma_semaphore, #tpu.memory_space<semaphore_mem>>) src(%arg16 : memref<80x128xf32, #tpu.memory_space<vmem>>) dst(%dma_wait3A_271 : memref<10240x128xf32, #tpu.memory_space<vmem_shared>>)
    %dma_wait3A_272 = arith.constant 0 : i32
    %dma_wait3A_273 = arith.constant 0 : i32
    %dma_wait3A_274 = tpu.memref_slice %arg13[%dma_wait3A_272, %dma_wait3A_273] : memref<80x128xf32, #tpu.memory_space<vmem>> -> memref<40x128xf32, #tpu.memory_space<vmem>>
    %dma_wait3A_275 = arith.constant 0 : i32
    %dma_wait3A_276 = arith.constant 0 : i32
    %dma_wait3A_277 = tpu.memref_slice %arg2[%dma_wait3A_275, %dma_wait3A_276] : memref<10000x128xf32, #tpu.memory_space<hbm>> -> memref<40x128xf32, #tpu.memory_space<hbm>>
    %dma_wait3A_278 = arith.constant 0 : i32
    %dma_wait3A_279 = arith.constant 0 : i32
    %dma_wait3A_280 = tpu.memref_slice %arg13[%dma_wait3A_278, %dma_wait3A_279] : memref<80x128xf32, #tpu.memory_space<vmem>> -> memref<40x128xf32, #tpu.memory_space<vmem>>
    %dma_wait3A_281 = arith.constant 0 : i32
    %dma_wait3A_282 = arith.constant 0 : i32
    %dma_wait3A_283 = tpu.memref_slice %arg2[%dma_wait3A_281, %dma_wait3A_282] : memref<10000x128xf32, #tpu.memory_space<hbm>> -> memref<40x128xf32, #tpu.memory_space<hbm>>
    tpu.wait_dma2 semaphore(%arg18 : memref<!tpu.dma_semaphore, #tpu.memory_space<semaphore_mem>>) src(%dma_wait3A_283 : memref<40x128xf32, #tpu.memory_space<hbm>>) dst(%dma_wait3A_280 : memref<40x128xf32, #tpu.memory_space<vmem>>)
    %dma_wait3A_284 = arith.constant 40 : i32
    %dma_wait3A_285 = arith.constant 0 : i32
    %dma_wait3A_286 = tpu.memref_slice %arg13[%dma_wait3A_284, %dma_wait3A_285] : memref<80x128xf32, #tpu.memory_space<vmem>> -> memref<40x128xf32, #tpu.memory_space<vmem>>
    %dma_wait3A_287 = arith.constant 0 : i32
    %dma_wait3A_288 = arith.constant 0 : i32
    %dma_wait3A_289 = tpu.memref_slice %arg2[%dma_wait3A_287, %dma_wait3A_288] : memref<10000x128xf32, #tpu.memory_space<hbm>> -> memref<40x128xf32, #tpu.memory_space<hbm>>
    %dma_wait3A_290 = arith.constant 40 : i32
    %dma_wait3A_291 = arith.constant 0 : i32
    %dma_wait3A_292 = tpu.memref_slice %arg13[%dma_wait3A_290, %dma_wait3A_291] : memref<80x128xf32, #tpu.memory_space<vmem>> -> memref<40x128xf32, #tpu.memory_space<vmem>>
    %dma_wait3A_293 = arith.constant 0 : i32
    %dma_wait3A_294 = arith.constant 0 : i32
    %dma_wait3A_295 = tpu.memref_slice %arg2[%dma_wait3A_293, %dma_wait3A_294] : memref<10000x128xf32, #tpu.memory_space<hbm>> -> memref<40x128xf32, #tpu.memory_space<hbm>>
    tpu.wait_dma2 semaphore(%arg18 : memref<!tpu.dma_semaphore, #tpu.memory_space<semaphore_mem>>) src(%dma_wait3A_295 : memref<40x128xf32, #tpu.memory_space<hbm>>) dst(%dma_wait3A_292 : memref<40x128xf32, #tpu.memory_space<vmem>>)
    %dma_wait3A_296 = arith.constant 0 : i32
    %dma_wait3A_297 = arith.constant 0 : i32
    %dma_wait3A_298 = tpu.memref_slice %arg14[%dma_wait3A_296, %dma_wait3A_297] : memref<80x128xf32, #tpu.memory_space<vmem>> -> memref<40x128xf32, #tpu.memory_space<vmem>>
    %dma_wait3A_299 = arith.constant 0 : i32
    %dma_wait3A_300 = arith.constant 0 : i32
    %dma_wait3A_301 = tpu.memref_slice %arg2[%dma_wait3A_299, %dma_wait3A_300] : memref<10000x128xf32, #tpu.memory_space<hbm>> -> memref<40x128xf32, #tpu.memory_space<hbm>>
    %dma_wait3A_302 = arith.constant 0 : i32
    %dma_wait3A_303 = arith.constant 0 : i32
    %dma_wait3A_304 = tpu.memref_slice %arg14[%dma_wait3A_302, %dma_wait3A_303] : memref<80x128xf32, #tpu.memory_space<vmem>> -> memref<40x128xf32, #tpu.memory_space<vmem>>
    %dma_wait3A_305 = arith.constant 0 : i32
    %dma_wait3A_306 = arith.constant 0 : i32
    %dma_wait3A_307 = tpu.memref_slice %arg2[%dma_wait3A_305, %dma_wait3A_306] : memref<10000x128xf32, #tpu.memory_space<hbm>> -> memref<40x128xf32, #tpu.memory_space<hbm>>
    tpu.wait_dma2 semaphore(%arg18 : memref<!tpu.dma_semaphore, #tpu.memory_space<semaphore_mem>>) src(%dma_wait3A_307 : memref<40x128xf32, #tpu.memory_space<hbm>>) dst(%dma_wait3A_304 : memref<40x128xf32, #tpu.memory_space<vmem>>)
    %dma_wait3A_308 = arith.constant 40 : i32
    %dma_wait3A_309 = arith.constant 0 : i32
    %dma_wait3A_310 = tpu.memref_slice %arg14[%dma_wait3A_308, %dma_wait3A_309] : memref<80x128xf32, #tpu.memory_space<vmem>> -> memref<40x128xf32, #tpu.memory_space<vmem>>
    %dma_wait3A_311 = arith.constant 0 : i32
    %dma_wait3A_312 = arith.constant 0 : i32
    %dma_wait3A_313 = tpu.memref_slice %arg2[%dma_wait3A_311, %dma_wait3A_312] : memref<10000x128xf32, #tpu.memory_space<hbm>> -> memref<40x128xf32, #tpu.memory_space<hbm>>
    %dma_wait3A_314 = arith.constant 40 : i32
    %dma_wait3A_315 = arith.constant 0 : i32
    %dma_wait3A_316 = tpu.memref_slice %arg14[%dma_wait3A_314, %dma_wait3A_315] : memref<80x128xf32, #tpu.memory_space<vmem>> -> memref<40x128xf32, #tpu.memory_space<vmem>>
    %dma_wait3A_317 = arith.constant 0 : i32
    %dma_wait3A_318 = arith.constant 0 : i32
    %dma_wait3A_319 = tpu.memref_slice %arg2[%dma_wait3A_317, %dma_wait3A_318] : memref<10000x128xf32, #tpu.memory_space<hbm>> -> memref<40x128xf32, #tpu.memory_space<hbm>>
    tpu.wait_dma2 semaphore(%arg18 : memref<!tpu.dma_semaphore, #tpu.memory_space<semaphore_mem>>) src(%dma_wait3A_319 : memref<40x128xf32, #tpu.memory_space<hbm>>) dst(%dma_wait3A_316 : memref<40x128xf32, #tpu.memory_space<vmem>>)
    %dma_start3A_320 = arith.constant 0 : i32
    %dma_start3A_321 = arith.constant 0 : i32
    %dma_start3A_322 = tpu.memref_slice %arg8[%dma_start3A_320, %dma_start3A_321] : memref<10240x128xf32, #tpu.memory_space<vmem_shared>> -> memref<10240x128xf32, #tpu.memory_space<vmem_shared>>
    tpu.enqueue_indirect_dma source(%arg13 : memref<80x128xf32, #tpu.memory_space<vmem>>) target(%dma_start3A_322 : memref<10240x128xf32, #tpu.memory_space<vmem_shared>>) offsets(%arg10 : memref<80xi32, #tpu.memory_space<vmem>>) semaphore(%arg19 : memref<!tpu.dma_semaphore, #tpu.memory_space<semaphore_mem>>) {add = true}
    %dma_start3A_323 = arith.constant 0 : i32
    %dma_start3A_324 = arith.constant 0 : i32
    %dma_start3A_325 = tpu.memref_slice %arg8[%dma_start3A_323, %dma_start3A_324] : memref<10240x128xf32, #tpu.memory_space<vmem_shared>> -> memref<10240x128xf32, #tpu.memory_space<vmem_shared>>
    tpu.enqueue_indirect_dma source(%arg14 : memref<80x128xf32, #tpu.memory_space<vmem>>) target(%dma_start3A_325 : memref<10240x128xf32, #tpu.memory_space<vmem_shared>>) offsets(%arg9 : memref<80xi32, #tpu.memory_space<vmem>>) semaphore(%arg19 : memref<!tpu.dma_semaphore, #tpu.memory_space<semaphore_mem>>) {add = true}
    %dma_wait3A_326 = arith.constant 0 : i32
    %dma_wait3A_327 = arith.constant 0 : i32
    %dma_wait3A_328 = tpu.memref_slice %arg8[%dma_wait3A_326, %dma_wait3A_327] : memref<10240x128xf32, #tpu.memory_space<vmem_shared>> -> memref<10240x128xf32, #tpu.memory_space<vmem_shared>>
    tpu.wait_indirect_dma semaphore(%arg19 : memref<!tpu.dma_semaphore, #tpu.memory_space<semaphore_mem>>) src(%arg13 : memref<80x128xf32, #tpu.memory_space<vmem>>) dst(%dma_wait3A_328 : memref<10240x128xf32, #tpu.memory_space<vmem_shared>>)
    %dma_wait3A_329 = arith.constant 0 : i32
    %dma_wait3A_330 = arith.constant 0 : i32
    %dma_wait3A_331 = tpu.memref_slice %arg8[%dma_wait3A_329, %dma_wait3A_330] : memref<10240x128xf32, #tpu.memory_space<vmem_shared>> -> memref<10240x128xf32, #tpu.memory_space<vmem_shared>>
    tpu.wait_indirect_dma semaphore(%arg19 : memref<!tpu.dma_semaphore, #tpu.memory_space<semaphore_mem>>) src(%arg14 : memref<80x128xf32, #tpu.memory_space<vmem>>) dst(%dma_wait3A_331 : memref<10240x128xf32, #tpu.memory_space<vmem_shared>>)
    %barrier3A_332 = arith.constant 0 : index
    tpu.barrier barrier_id(%barrier3A_332)
    %mul3A_333 = arith.constant 640 : i32
    %mul3A_334 = arith.muli %arg1, %mul3A_333 : i32
    %mul3A_335 = arith.constant 640 : i32
    %mul3A_336 = arith.muli %arg1, %mul3A_335 : i32
    "tpu.region"() ({
      %run_scoped3A = tpu.sem_alloc : memref<!tpu.dma_semaphore, #tpu.memory_space<semaphore_mem>>
      %dma_start3A_337 = arith.constant 0 : i32
      %dma_start3A_338 = tpu.memref_slice %arg7[%arg0, %mul3A_336, %dma_start3A_337] : memref<2x10240x128xf32, #tpu.memory_space<hbm>> -> memref<1x640x128xf32, #tpu.memory_space<hbm>>
      %dma_start3A_339 = tpu.memref_squeeze %dma_start3A_338 : memref<1x640x128xf32, #tpu.memory_space<hbm>> -> memref<640x128xf32, #tpu.memory_space<hbm>>
      %dma_start3A_340 = arith.constant 0 : i32
      %dma_start3A_341 = tpu.memref_slice %arg8[%mul3A_334, %dma_start3A_340] : memref<10240x128xf32, #tpu.memory_space<vmem_shared>> -> memref<640x128xf32, #tpu.memory_space<vmem_shared>>
      tpu.enqueue_dma source(%dma_start3A_341 : memref<640x128xf32, #tpu.memory_space<vmem_shared>>) target(%dma_start3A_339 : memref<640x128xf32, #tpu.memory_space<hbm>>) target_semaphore(%run_scoped3A : memref<!tpu.dma_semaphore, #tpu.memory_space<semaphore_mem>>)
      %dma_wait3A_342 = arith.constant 0 : i32
      %dma_wait3A_343 = tpu.memref_slice %arg7[%arg0, %mul3A_336, %dma_wait3A_342] : memref<2x10240x128xf32, #tpu.memory_space<hbm>> -> memref<1x640x128xf32, #tpu.memory_space<hbm>>
      %dma_wait3A_344 = tpu.memref_squeeze %dma_wait3A_343 : memref<1x640x128xf32, #tpu.memory_space<hbm>> -> memref<640x128xf32, #tpu.memory_space<hbm>>
      %dma_wait3A_345 = arith.constant 0 : i32
      %dma_wait3A_346 = tpu.memref_slice %arg8[%mul3A_334, %dma_wait3A_345] : memref<10240x128xf32, #tpu.memory_space<vmem_shared>> -> memref<640x128xf32, #tpu.memory_space<vmem_shared>>
      tpu.wait_dma2 semaphore(%run_scoped3A : memref<!tpu.dma_semaphore, #tpu.memory_space<semaphore_mem>>) src(%dma_wait3A_346 : memref<640x128xf32, #tpu.memory_space<vmem_shared>>) dst(%dma_wait3A_344 : memref<640x128xf32, #tpu.memory_space<hbm>>)
      tpu.yield
    }) : () -> ()
    return
  }
}

#map = affine_map<(d0, d1) -> (0, 0)>
#map1 = affine_map<(d0, d1) -> (0)>
#map2 = affine_map<(d0, d1) -> (0, 0, 0)>
module attributes {stable_mosaic.version = 14 : i64} {
  func.func @_sc_e_body(%arg0: i32, %arg1: i32, %arg2: memref<320000x128xf32, #tpu.memory_space<hbm>>, %arg3: memref<640000xi32, #tpu.memory_space<hbm>>, %arg4: memref<10240x128xf32, #tpu.memory_space<hbm>>, %arg5: memref<10240xf32, #tpu.memory_space<hbm>>, %arg6: memref<80xf32, #tpu.memory_space<hbm>>, %arg7: memref<2x10240x128xf32, #tpu.memory_space<hbm>>, %arg8: memref<2x10240xf32, #tpu.memory_space<hbm>>, %arg9: memref<10240x128xf32, #tpu.memory_space<vmem_shared>>, %arg10: memref<10240xf32, #tpu.memory_space<vmem_shared>>, %arg11: memref<80xi32, #tpu.memory_space<vmem>>, %arg12: memref<80xi32, #tpu.memory_space<vmem>>, %arg13: memref<80x128xf32, #tpu.memory_space<vmem>>, %arg14: memref<80x128xf32, #tpu.memory_space<vmem>>, %arg15: memref<80xf32, #tpu.memory_space<vmem>>, %arg16: memref<!tpu.dma_semaphore, #tpu.memory_space<semaphore_mem>>, %arg17: memref<!tpu.dma_semaphore, #tpu.memory_space<semaphore_mem>>, %arg18: memref<!tpu.dma_semaphore, #tpu.memory_space<semaphore_mem>>) attributes {dimension_semantics = [#tpu.dimension_semantics<core_parallel>, #tpu.dimension_semantics<subcore_parallel>], iteration_bounds = array<i64: 2, 16>, scalar_prefetch = 0 : i64, scratch_operands = 10 : i64, tpu.core_type = #tpu.core_type<sc_vector_subcore>, window_params = [{transform_indices = #map}, {transform_indices = #map1}, {transform_indices = #map}, {transform_indices = #map1}, {transform_indices = #map1}, {transform_indices = #map2}, {transform_indices = #map}]} {
    %mul3A = arith.constant 640 : i32
    %mul3A_0 = arith.muli %arg1, %mul3A : i32
    %mul3A_1 = arith.constant 640 : i32
    %mul3A_2 = arith.muli %arg1, %mul3A_1 : i32
    "tpu.region"() ({
      %run_scoped3A = tpu.sem_alloc : memref<!tpu.dma_semaphore, #tpu.memory_space<semaphore_mem>>
      %dma_start3A_92 = arith.constant 0 : i32
      %dma_start3A_93 = tpu.memref_slice %arg9[%mul3A_2, %dma_start3A_92] : memref<10240x128xf32, #tpu.memory_space<vmem_shared>> -> memref<640x128xf32, #tpu.memory_space<vmem_shared>>
      %dma_start3A_94 = arith.constant 0 : i32
      %dma_start3A_95 = tpu.memref_slice %arg4[%mul3A_0, %dma_start3A_94] : memref<10240x128xf32, #tpu.memory_space<hbm>> -> memref<640x128xf32, #tpu.memory_space<hbm>>
      tpu.enqueue_dma source(%dma_start3A_95 : memref<640x128xf32, #tpu.memory_space<hbm>>) target(%dma_start3A_93 : memref<640x128xf32, #tpu.memory_space<vmem_shared>>) target_semaphore(%run_scoped3A : memref<!tpu.dma_semaphore, #tpu.memory_space<semaphore_mem>>)
      %dma_wait3A_96 = arith.constant 0 : i32
      %dma_wait3A_97 = tpu.memref_slice %arg9[%mul3A_2, %dma_wait3A_96] : memref<10240x128xf32, #tpu.memory_space<vmem_shared>> -> memref<640x128xf32, #tpu.memory_space<vmem_shared>>
      %dma_wait3A_98 = arith.constant 0 : i32
      %dma_wait3A_99 = tpu.memref_slice %arg4[%mul3A_0, %dma_wait3A_98] : memref<10240x128xf32, #tpu.memory_space<hbm>> -> memref<640x128xf32, #tpu.memory_space<hbm>>
      tpu.wait_dma2 semaphore(%run_scoped3A : memref<!tpu.dma_semaphore, #tpu.memory_space<semaphore_mem>>) src(%dma_wait3A_99 : memref<640x128xf32, #tpu.memory_space<hbm>>) dst(%dma_wait3A_97 : memref<640x128xf32, #tpu.memory_space<vmem_shared>>)
      tpu.yield
    }) : () -> ()
    %mul3A_3 = arith.constant 640 : i32
    %mul3A_4 = arith.muli %arg1, %mul3A_3 : i32
    %mul3A_5 = arith.constant 640 : i32
    %mul3A_6 = arith.muli %arg1, %mul3A_5 : i32
    "tpu.region"() ({
      %run_scoped3A = tpu.sem_alloc : memref<!tpu.dma_semaphore, #tpu.memory_space<semaphore_mem>>
      %dma_start3A_92 = tpu.memref_slice %arg10[%mul3A_6] : memref<10240xf32, #tpu.memory_space<vmem_shared>> -> memref<640xf32, #tpu.memory_space<vmem_shared>>
      %dma_start3A_93 = tpu.memref_slice %arg5[%mul3A_4] : memref<10240xf32, #tpu.memory_space<hbm>> -> memref<640xf32, #tpu.memory_space<hbm>>
      tpu.enqueue_dma source(%dma_start3A_93 : memref<640xf32, #tpu.memory_space<hbm>>) target(%dma_start3A_92 : memref<640xf32, #tpu.memory_space<vmem_shared>>) target_semaphore(%run_scoped3A : memref<!tpu.dma_semaphore, #tpu.memory_space<semaphore_mem>>)
      %dma_wait3A_94 = tpu.memref_slice %arg10[%mul3A_6] : memref<10240xf32, #tpu.memory_space<vmem_shared>> -> memref<640xf32, #tpu.memory_space<vmem_shared>>
      %dma_wait3A_95 = tpu.memref_slice %arg5[%mul3A_4] : memref<10240xf32, #tpu.memory_space<hbm>> -> memref<640xf32, #tpu.memory_space<hbm>>
      tpu.wait_dma2 semaphore(%run_scoped3A : memref<!tpu.dma_semaphore, #tpu.memory_space<semaphore_mem>>) src(%dma_wait3A_95 : memref<640xf32, #tpu.memory_space<hbm>>) dst(%dma_wait3A_94 : memref<640xf32, #tpu.memory_space<vmem_shared>>)
      tpu.yield
    }) : () -> ()
    "tpu.region"() ({
      %run_scoped3A = tpu.sem_alloc : memref<!tpu.dma_semaphore, #tpu.memory_space<semaphore_mem>>
      tpu.enqueue_dma source(%arg6 : memref<80xf32, #tpu.memory_space<hbm>>) target(%arg15 : memref<80xf32, #tpu.memory_space<vmem>>) target_semaphore(%run_scoped3A : memref<!tpu.dma_semaphore, #tpu.memory_space<semaphore_mem>>)
      tpu.wait_dma2 semaphore(%run_scoped3A : memref<!tpu.dma_semaphore, #tpu.memory_space<semaphore_mem>>) src(%arg6 : memref<80xf32, #tpu.memory_space<hbm>>) dst(%arg15 : memref<80xf32, #tpu.memory_space<vmem>>)
      tpu.yield
    }) : () -> ()
    %barrier3A = arith.constant 0 : index
    tpu.barrier barrier_id(%barrier3A)
    %mul3A_7 = arith.constant 20000 : i32
    %mul3A_8 = arith.muli %arg1, %mul3A_7 : i32
    %add3A = arith.constant 0 : i32
    %add3A_9 = arith.addi %mul3A_8, %add3A : i32
    %mul3A_10 = arith.constant 320000 : i32
    %mul3A_11 = arith.muli %arg0, %mul3A_10 : i32
    %add3A_12 = arith.addi %mul3A_11, %add3A_9 : i32
    %dma_start3A = tpu.memref_slice %arg3[%add3A_12] : memref<640000xi32, #tpu.memory_space<hbm>> -> memref<80xi32, #tpu.memory_space<hbm>>
    %dma_start3A_13 = tpu.memref_slice %arg3[%add3A_12] : memref<640000xi32, #tpu.memory_space<hbm>> -> memref<80xi32, #tpu.memory_space<hbm>>
    tpu.enqueue_dma source(%dma_start3A_13 : memref<80xi32, #tpu.memory_space<hbm>>) target(%arg11 : memref<80xi32, #tpu.memory_space<vmem>>) target_semaphore(%arg16 : memref<!tpu.dma_semaphore, #tpu.memory_space<semaphore_mem>>)
    %dma_wait3A = arith.constant 0 : i32
    %dma_wait3A_14 = tpu.memref_slice %arg3[%dma_wait3A] : memref<640000xi32, #tpu.memory_space<hbm>> -> memref<80xi32, #tpu.memory_space<hbm>>
    %dma_wait3A_15 = arith.constant 0 : i32
    %dma_wait3A_16 = tpu.memref_slice %arg3[%dma_wait3A_15] : memref<640000xi32, #tpu.memory_space<hbm>> -> memref<80xi32, #tpu.memory_space<hbm>>
    tpu.wait_dma2 semaphore(%arg16 : memref<!tpu.dma_semaphore, #tpu.memory_space<semaphore_mem>>) src(%dma_wait3A_16 : memref<80xi32, #tpu.memory_space<hbm>>) dst(%arg11 : memref<80xi32, #tpu.memory_space<vmem>>)
    %mul3A_17 = arith.constant 20000 : i32
    %mul3A_18 = arith.muli %arg1, %mul3A_17 : i32
    %add3A_19 = arith.constant 0 : i32
    %add3A_20 = arith.addi %mul3A_18, %add3A_19 : i32
    %dma_start3A_21 = arith.constant 0 : i32
    %dma_start3A_22 = tpu.memref_slice %arg2[%add3A_20, %dma_start3A_21] : memref<320000x128xf32, #tpu.memory_space<hbm>> -> memref<80x128xf32, #tpu.memory_space<hbm>>
    %dma_start3A_23 = arith.constant 0 : i32
    %dma_start3A_24 = tpu.memref_slice %arg2[%add3A_20, %dma_start3A_23] : memref<320000x128xf32, #tpu.memory_space<hbm>> -> memref<80x128xf32, #tpu.memory_space<hbm>>
    tpu.enqueue_dma source(%dma_start3A_24 : memref<80x128xf32, #tpu.memory_space<hbm>>) target(%arg13 : memref<80x128xf32, #tpu.memory_space<vmem>>) target_semaphore(%arg17 : memref<!tpu.dma_semaphore, #tpu.memory_space<semaphore_mem>>)
    %mul3A_25 = arith.constant 20000 : i32
    %mul3A_26 = arith.muli %arg1, %mul3A_25 : i32
    %add3A_27 = arith.constant 80 : i32
    %add3A_28 = arith.addi %mul3A_26, %add3A_27 : i32
    %mul3A_29 = arith.constant 320000 : i32
    %mul3A_30 = arith.muli %arg0, %mul3A_29 : i32
    %add3A_31 = arith.addi %mul3A_30, %add3A_28 : i32
    %dma_start3A_32 = tpu.memref_slice %arg3[%add3A_31] : memref<640000xi32, #tpu.memory_space<hbm>> -> memref<80xi32, #tpu.memory_space<hbm>>
    %dma_start3A_33 = tpu.memref_slice %arg3[%add3A_31] : memref<640000xi32, #tpu.memory_space<hbm>> -> memref<80xi32, #tpu.memory_space<hbm>>
    tpu.enqueue_dma source(%dma_start3A_33 : memref<80xi32, #tpu.memory_space<hbm>>) target(%arg12 : memref<80xi32, #tpu.memory_space<vmem>>) target_semaphore(%arg16 : memref<!tpu.dma_semaphore, #tpu.memory_space<semaphore_mem>>)
    %dma_wait3A_34 = arith.constant 0 : i32
    %dma_wait3A_35 = arith.constant 0 : i32
    %dma_wait3A_36 = tpu.memref_slice %arg2[%dma_wait3A_34, %dma_wait3A_35] : memref<320000x128xf32, #tpu.memory_space<hbm>> -> memref<80x128xf32, #tpu.memory_space<hbm>>
    %dma_wait3A_37 = arith.constant 0 : i32
    %dma_wait3A_38 = arith.constant 0 : i32
    %dma_wait3A_39 = tpu.memref_slice %arg2[%dma_wait3A_37, %dma_wait3A_38] : memref<320000x128xf32, #tpu.memory_space<hbm>> -> memref<80x128xf32, #tpu.memory_space<hbm>>
    tpu.wait_dma2 semaphore(%arg17 : memref<!tpu.dma_semaphore, #tpu.memory_space<semaphore_mem>>) src(%dma_wait3A_39 : memref<80x128xf32, #tpu.memory_space<hbm>>) dst(%arg13 : memref<80x128xf32, #tpu.memory_space<vmem>>)
    %dma_start3A_40 = arith.constant 0 : i32
    %dma_start3A_41 = arith.constant 0 : i32
    %dma_start3A_42 = tpu.memref_slice %arg9[%dma_start3A_40, %dma_start3A_41] : memref<10240x128xf32, #tpu.memory_space<vmem_shared>> -> memref<10240x128xf32, #tpu.memory_space<vmem_shared>>
    tpu.enqueue_indirect_dma source(%arg13 : memref<80x128xf32, #tpu.memory_space<vmem>>) target(%dma_start3A_42 : memref<10240x128xf32, #tpu.memory_space<vmem_shared>>) offsets(%arg11 : memref<80xi32, #tpu.memory_space<vmem>>) semaphore(%arg18 : memref<!tpu.dma_semaphore, #tpu.memory_space<semaphore_mem>>) {add = true}
    %dma_start3A_43 = arith.constant 0 : i32
    %dma_start3A_44 = tpu.memref_slice %arg10[%dma_start3A_43] : memref<10240xf32, #tpu.memory_space<vmem_shared>> -> memref<10240xf32, #tpu.memory_space<vmem_shared>>
    tpu.enqueue_indirect_dma source(%arg15 : memref<80xf32, #tpu.memory_space<vmem>>) target(%dma_start3A_44 : memref<10240xf32, #tpu.memory_space<vmem_shared>>) offsets(%arg11 : memref<80xi32, #tpu.memory_space<vmem>>) semaphore(%arg18 : memref<!tpu.dma_semaphore, #tpu.memory_space<semaphore_mem>>) {add = true}
    %dma_wait3A_45 = arith.constant 0 : i32
    %dma_wait3A_46 = tpu.memref_slice %arg3[%dma_wait3A_45] : memref<640000xi32, #tpu.memory_space<hbm>> -> memref<80xi32, #tpu.memory_space<hbm>>
    %dma_wait3A_47 = arith.constant 0 : i32
    %dma_wait3A_48 = tpu.memref_slice %arg3[%dma_wait3A_47] : memref<640000xi32, #tpu.memory_space<hbm>> -> memref<80xi32, #tpu.memory_space<hbm>>
    tpu.wait_dma2 semaphore(%arg16 : memref<!tpu.dma_semaphore, #tpu.memory_space<semaphore_mem>>) src(%dma_wait3A_48 : memref<80xi32, #tpu.memory_space<hbm>>) dst(%arg12 : memref<80xi32, #tpu.memory_space<vmem>>)
    %mul3A_49 = arith.constant 20000 : i32
    %mul3A_50 = arith.muli %arg1, %mul3A_49 : i32
    %add3A_51 = arith.constant 80 : i32
    %add3A_52 = arith.addi %mul3A_50, %add3A_51 : i32
    %dma_start3A_53 = arith.constant 0 : i32
    %dma_start3A_54 = tpu.memref_slice %arg2[%add3A_52, %dma_start3A_53] : memref<320000x128xf32, #tpu.memory_space<hbm>> -> memref<80x128xf32, #tpu.memory_space<hbm>>
    %dma_start3A_55 = arith.constant 0 : i32
    %dma_start3A_56 = tpu.memref_slice %arg2[%add3A_52, %dma_start3A_55] : memref<320000x128xf32, #tpu.memory_space<hbm>> -> memref<80x128xf32, #tpu.memory_space<hbm>>
    tpu.enqueue_dma source(%dma_start3A_56 : memref<80x128xf32, #tpu.memory_space<hbm>>) target(%arg14 : memref<80x128xf32, #tpu.memory_space<vmem>>) target_semaphore(%arg17 : memref<!tpu.dma_semaphore, #tpu.memory_space<semaphore_mem>>)
    %scan3A = arith.constant 0 : i32
    %scan3A_57 = arith.constant 0 : i32
    %scan3A_58 = arith.constant 124 : i32
    %scan3A_59 = arith.addi %scan3A_57, %scan3A_58 : i32
    %scan3A_60 = arith.constant 1 : i32
    scf.for %scan3A_92 = %scan3A_57 to %scan3A_59 step %scan3A_60  : i32 {
      %mul3A_93 = arith.constant 2 : i32
      %mul3A_94 = arith.muli %mul3A_93, %scan3A_92 : i32
      %add3A_95 = arith.constant 1 : i32
      %add3A_96 = arith.addi %mul3A_94, %add3A_95 : i32
      %dma_wait3A_97 = arith.constant 0 : i32
      %dma_wait3A_98 = arith.constant 0 : i32
      %dma_wait3A_99 = tpu.memref_slice %arg9[%dma_wait3A_97, %dma_wait3A_98] : memref<10240x128xf32, #tpu.memory_space<vmem_shared>> -> memref<10240x128xf32, #tpu.memory_space<vmem_shared>>
      tpu.wait_indirect_dma semaphore(%arg18 : memref<!tpu.dma_semaphore, #tpu.memory_space<semaphore_mem>>) src(%arg13 : memref<80x128xf32, #tpu.memory_space<vmem>>) dst(%dma_wait3A_99 : memref<10240x128xf32, #tpu.memory_space<vmem_shared>>)
      %dma_wait3A_100 = arith.constant 0 : i32
      %dma_wait3A_101 = tpu.memref_slice %arg10[%dma_wait3A_100] : memref<10240xf32, #tpu.memory_space<vmem_shared>> -> memref<10240xf32, #tpu.memory_space<vmem_shared>>
      tpu.wait_indirect_dma semaphore(%arg18 : memref<!tpu.dma_semaphore, #tpu.memory_space<semaphore_mem>>) src(%arg15 : memref<80xf32, #tpu.memory_space<vmem>>) dst(%dma_wait3A_101 : memref<10240xf32, #tpu.memory_space<vmem_shared>>)
      %add3A_102 = arith.constant 1 : i32
      %add3A_103 = arith.addi %add3A_96, %add3A_102 : i32
      %mul3A_104 = arith.constant 20000 : i32
      %mul3A_105 = arith.muli %arg1, %mul3A_104 : i32
      %mul3A_106 = arith.constant 80 : i32
      %mul3A_107 = arith.muli %add3A_103, %mul3A_106 : i32
      %add3A_108 = arith.addi %mul3A_105, %mul3A_107 : i32
      %mul3A_109 = arith.constant 320000 : i32
      %mul3A_110 = arith.muli %arg0, %mul3A_109 : i32
      %add3A_111 = arith.addi %mul3A_110, %add3A_108 : i32
      %dma_start3A_112 = tpu.memref_slice %arg3[%add3A_111] : memref<640000xi32, #tpu.memory_space<hbm>> -> memref<80xi32, #tpu.memory_space<hbm>>
      %dma_start3A_113 = tpu.memref_slice %arg3[%add3A_111] : memref<640000xi32, #tpu.memory_space<hbm>> -> memref<80xi32, #tpu.memory_space<hbm>>
      tpu.enqueue_dma source(%dma_start3A_113 : memref<80xi32, #tpu.memory_space<hbm>>) target(%arg11 : memref<80xi32, #tpu.memory_space<vmem>>) target_semaphore(%arg16 : memref<!tpu.dma_semaphore, #tpu.memory_space<semaphore_mem>>)
      %dma_wait3A_114 = arith.constant 0 : i32
      %dma_wait3A_115 = arith.constant 0 : i32
      %dma_wait3A_116 = tpu.memref_slice %arg2[%dma_wait3A_114, %dma_wait3A_115] : memref<320000x128xf32, #tpu.memory_space<hbm>> -> memref<80x128xf32, #tpu.memory_space<hbm>>
      %dma_wait3A_117 = arith.constant 0 : i32
      %dma_wait3A_118 = arith.constant 0 : i32
      %dma_wait3A_119 = tpu.memref_slice %arg2[%dma_wait3A_117, %dma_wait3A_118] : memref<320000x128xf32, #tpu.memory_space<hbm>> -> memref<80x128xf32, #tpu.memory_space<hbm>>
      tpu.wait_dma2 semaphore(%arg17 : memref<!tpu.dma_semaphore, #tpu.memory_space<semaphore_mem>>) src(%dma_wait3A_119 : memref<80x128xf32, #tpu.memory_space<hbm>>) dst(%arg14 : memref<80x128xf32, #tpu.memory_space<vmem>>)
      %dma_start3A_120 = arith.constant 0 : i32
      %dma_start3A_121 = arith.constant 0 : i32
      %dma_start3A_122 = tpu.memref_slice %arg9[%dma_start3A_120, %dma_start3A_121] : memref<10240x128xf32, #tpu.memory_space<vmem_shared>> -> memref<10240x128xf32, #tpu.memory_space<vmem_shared>>
      tpu.enqueue_indirect_dma source(%arg14 : memref<80x128xf32, #tpu.memory_space<vmem>>) target(%dma_start3A_122 : memref<10240x128xf32, #tpu.memory_space<vmem_shared>>) offsets(%arg12 : memref<80xi32, #tpu.memory_space<vmem>>) semaphore(%arg18 : memref<!tpu.dma_semaphore, #tpu.memory_space<semaphore_mem>>) {add = true}
      %dma_start3A_123 = arith.constant 0 : i32
      %dma_start3A_124 = tpu.memref_slice %arg10[%dma_start3A_123] : memref<10240xf32, #tpu.memory_space<vmem_shared>> -> memref<10240xf32, #tpu.memory_space<vmem_shared>>
      tpu.enqueue_indirect_dma source(%arg15 : memref<80xf32, #tpu.memory_space<vmem>>) target(%dma_start3A_124 : memref<10240xf32, #tpu.memory_space<vmem_shared>>) offsets(%arg12 : memref<80xi32, #tpu.memory_space<vmem>>) semaphore(%arg18 : memref<!tpu.dma_semaphore, #tpu.memory_space<semaphore_mem>>) {add = true}
      %dma_wait3A_125 = arith.constant 0 : i32
      %dma_wait3A_126 = tpu.memref_slice %arg3[%dma_wait3A_125] : memref<640000xi32, #tpu.memory_space<hbm>> -> memref<80xi32, #tpu.memory_space<hbm>>
      %dma_wait3A_127 = arith.constant 0 : i32
      %dma_wait3A_128 = tpu.memref_slice %arg3[%dma_wait3A_127] : memref<640000xi32, #tpu.memory_space<hbm>> -> memref<80xi32, #tpu.memory_space<hbm>>
      tpu.wait_dma2 semaphore(%arg16 : memref<!tpu.dma_semaphore, #tpu.memory_space<semaphore_mem>>) src(%dma_wait3A_128 : memref<80xi32, #tpu.memory_space<hbm>>) dst(%arg11 : memref<80xi32, #tpu.memory_space<vmem>>)
      %add3A_129 = arith.constant 1 : i32
      %add3A_130 = arith.addi %add3A_96, %add3A_129 : i32
      %mul3A_131 = arith.constant 20000 : i32
      %mul3A_132 = arith.muli %arg1, %mul3A_131 : i32
      %mul3A_133 = arith.constant 80 : i32
      %mul3A_134 = arith.muli %add3A_130, %mul3A_133 : i32
      %add3A_135 = arith.addi %mul3A_132, %mul3A_134 : i32
      %dma_start3A_136 = arith.constant 0 : i32
      %dma_start3A_137 = tpu.memref_slice %arg2[%add3A_135, %dma_start3A_136] : memref<320000x128xf32, #tpu.memory_space<hbm>> -> memref<80x128xf32, #tpu.memory_space<hbm>>
      %dma_start3A_138 = arith.constant 0 : i32
      %dma_start3A_139 = tpu.memref_slice %arg2[%add3A_135, %dma_start3A_138] : memref<320000x128xf32, #tpu.memory_space<hbm>> -> memref<80x128xf32, #tpu.memory_space<hbm>>
      tpu.enqueue_dma source(%dma_start3A_139 : memref<80x128xf32, #tpu.memory_space<hbm>>) target(%arg13 : memref<80x128xf32, #tpu.memory_space<vmem>>) target_semaphore(%arg17 : memref<!tpu.dma_semaphore, #tpu.memory_space<semaphore_mem>>)
      %mul3A_140 = arith.constant 2 : i32
      %mul3A_141 = arith.muli %mul3A_140, %scan3A_92 : i32
      %add3A_142 = arith.constant 2 : i32
      %add3A_143 = arith.addi %mul3A_141, %add3A_142 : i32
      %dma_wait3A_144 = arith.constant 0 : i32
      %dma_wait3A_145 = arith.constant 0 : i32
      %dma_wait3A_146 = tpu.memref_slice %arg9[%dma_wait3A_144, %dma_wait3A_145] : memref<10240x128xf32, #tpu.memory_space<vmem_shared>> -> memref<10240x128xf32, #tpu.memory_space<vmem_shared>>
      tpu.wait_indirect_dma semaphore(%arg18 : memref<!tpu.dma_semaphore, #tpu.memory_space<semaphore_mem>>) src(%arg14 : memref<80x128xf32, #tpu.memory_space<vmem>>) dst(%dma_wait3A_146 : memref<10240x128xf32, #tpu.memory_space<vmem_shared>>)
      %dma_wait3A_147 = arith.constant 0 : i32
      %dma_wait3A_148 = tpu.memref_slice %arg10[%dma_wait3A_147] : memref<10240xf32, #tpu.memory_space<vmem_shared>> -> memref<10240xf32, #tpu.memory_space<vmem_shared>>
      tpu.wait_indirect_dma semaphore(%arg18 : memref<!tpu.dma_semaphore, #tpu.memory_space<semaphore_mem>>) src(%arg15 : memref<80xf32, #tpu.memory_space<vmem>>) dst(%dma_wait3A_148 : memref<10240xf32, #tpu.memory_space<vmem_shared>>)
      %add3A_149 = arith.constant 1 : i32
      %add3A_150 = arith.addi %add3A_143, %add3A_149 : i32
      %mul3A_151 = arith.constant 20000 : i32
      %mul3A_152 = arith.muli %arg1, %mul3A_151 : i32
      %mul3A_153 = arith.constant 80 : i32
      %mul3A_154 = arith.muli %add3A_150, %mul3A_153 : i32
      %add3A_155 = arith.addi %mul3A_152, %mul3A_154 : i32
      %mul3A_156 = arith.constant 320000 : i32
      %mul3A_157 = arith.muli %arg0, %mul3A_156 : i32
      %add3A_158 = arith.addi %mul3A_157, %add3A_155 : i32
      %dma_start3A_159 = tpu.memref_slice %arg3[%add3A_158] : memref<640000xi32, #tpu.memory_space<hbm>> -> memref<80xi32, #tpu.memory_space<hbm>>
      %dma_start3A_160 = tpu.memref_slice %arg3[%add3A_158] : memref<640000xi32, #tpu.memory_space<hbm>> -> memref<80xi32, #tpu.memory_space<hbm>>
      tpu.enqueue_dma source(%dma_start3A_160 : memref<80xi32, #tpu.memory_space<hbm>>) target(%arg12 : memref<80xi32, #tpu.memory_space<vmem>>) target_semaphore(%arg16 : memref<!tpu.dma_semaphore, #tpu.memory_space<semaphore_mem>>)
      %dma_wait3A_161 = arith.constant 0 : i32
      %dma_wait3A_162 = arith.constant 0 : i32
      %dma_wait3A_163 = tpu.memref_slice %arg2[%dma_wait3A_161, %dma_wait3A_162] : memref<320000x128xf32, #tpu.memory_space<hbm>> -> memref<80x128xf32, #tpu.memory_space<hbm>>
      %dma_wait3A_164 = arith.constant 0 : i32
      %dma_wait3A_165 = arith.constant 0 : i32
      %dma_wait3A_166 = tpu.memref_slice %arg2[%dma_wait3A_164, %dma_wait3A_165] : memref<320000x128xf32, #tpu.memory_space<hbm>> -> memref<80x128xf32, #tpu.memory_space<hbm>>
      tpu.wait_dma2 semaphore(%arg17 : memref<!tpu.dma_semaphore, #tpu.memory_space<semaphore_mem>>) src(%dma_wait3A_166 : memref<80x128xf32, #tpu.memory_space<hbm>>) dst(%arg13 : memref<80x128xf32, #tpu.memory_space<vmem>>)
      %dma_start3A_167 = arith.constant 0 : i32
      %dma_start3A_168 = arith.constant 0 : i32
      %dma_start3A_169 = tpu.memref_slice %arg9[%dma_start3A_167, %dma_start3A_168] : memref<10240x128xf32, #tpu.memory_space<vmem_shared>> -> memref<10240x128xf32, #tpu.memory_space<vmem_shared>>
      tpu.enqueue_indirect_dma source(%arg13 : memref<80x128xf32, #tpu.memory_space<vmem>>) target(%dma_start3A_169 : memref<10240x128xf32, #tpu.memory_space<vmem_shared>>) offsets(%arg11 : memref<80xi32, #tpu.memory_space<vmem>>) semaphore(%arg18 : memref<!tpu.dma_semaphore, #tpu.memory_space<semaphore_mem>>) {add = true}
      %dma_start3A_170 = arith.constant 0 : i32
      %dma_start3A_171 = tpu.memref_slice %arg10[%dma_start3A_170] : memref<10240xf32, #tpu.memory_space<vmem_shared>> -> memref<10240xf32, #tpu.memory_space<vmem_shared>>
      tpu.enqueue_indirect_dma source(%arg15 : memref<80xf32, #tpu.memory_space<vmem>>) target(%dma_start3A_171 : memref<10240xf32, #tpu.memory_space<vmem_shared>>) offsets(%arg11 : memref<80xi32, #tpu.memory_space<vmem>>) semaphore(%arg18 : memref<!tpu.dma_semaphore, #tpu.memory_space<semaphore_mem>>) {add = true}
      %dma_wait3A_172 = arith.constant 0 : i32
      %dma_wait3A_173 = tpu.memref_slice %arg3[%dma_wait3A_172] : memref<640000xi32, #tpu.memory_space<hbm>> -> memref<80xi32, #tpu.memory_space<hbm>>
      %dma_wait3A_174 = arith.constant 0 : i32
      %dma_wait3A_175 = tpu.memref_slice %arg3[%dma_wait3A_174] : memref<640000xi32, #tpu.memory_space<hbm>> -> memref<80xi32, #tpu.memory_space<hbm>>
      tpu.wait_dma2 semaphore(%arg16 : memref<!tpu.dma_semaphore, #tpu.memory_space<semaphore_mem>>) src(%dma_wait3A_175 : memref<80xi32, #tpu.memory_space<hbm>>) dst(%arg12 : memref<80xi32, #tpu.memory_space<vmem>>)
      %add3A_176 = arith.constant 1 : i32
      %add3A_177 = arith.addi %add3A_143, %add3A_176 : i32
      %mul3A_178 = arith.constant 20000 : i32
      %mul3A_179 = arith.muli %arg1, %mul3A_178 : i32
      %mul3A_180 = arith.constant 80 : i32
      %mul3A_181 = arith.muli %add3A_177, %mul3A_180 : i32
      %add3A_182 = arith.addi %mul3A_179, %mul3A_181 : i32
      %dma_start3A_183 = arith.constant 0 : i32
      %dma_start3A_184 = tpu.memref_slice %arg2[%add3A_182, %dma_start3A_183] : memref<320000x128xf32, #tpu.memory_space<hbm>> -> memref<80x128xf32, #tpu.memory_space<hbm>>
      %dma_start3A_185 = arith.constant 0 : i32
      %dma_start3A_186 = tpu.memref_slice %arg2[%add3A_182, %dma_start3A_185] : memref<320000x128xf32, #tpu.memory_space<hbm>> -> memref<80x128xf32, #tpu.memory_space<hbm>>
      tpu.enqueue_dma source(%dma_start3A_186 : memref<80x128xf32, #tpu.memory_space<hbm>>) target(%arg14 : memref<80x128xf32, #tpu.memory_space<vmem>>) target_semaphore(%arg17 : memref<!tpu.dma_semaphore, #tpu.memory_space<semaphore_mem>>)
    }
    %scan3A_61 = arith.constant 124 : i32
    %dma_wait3A_62 = arith.constant 0 : i32
    %dma_wait3A_63 = arith.constant 0 : i32
    %dma_wait3A_64 = tpu.memref_slice %arg9[%dma_wait3A_62, %dma_wait3A_63] : memref<10240x128xf32, #tpu.memory_space<vmem_shared>> -> memref<10240x128xf32, #tpu.memory_space<vmem_shared>>
    tpu.wait_indirect_dma semaphore(%arg18 : memref<!tpu.dma_semaphore, #tpu.memory_space<semaphore_mem>>) src(%arg13 : memref<80x128xf32, #tpu.memory_space<vmem>>) dst(%dma_wait3A_64 : memref<10240x128xf32, #tpu.memory_space<vmem_shared>>)
    %dma_wait3A_65 = arith.constant 0 : i32
    %dma_wait3A_66 = tpu.memref_slice %arg10[%dma_wait3A_65] : memref<10240xf32, #tpu.memory_space<vmem_shared>> -> memref<10240xf32, #tpu.memory_space<vmem_shared>>
    tpu.wait_indirect_dma semaphore(%arg18 : memref<!tpu.dma_semaphore, #tpu.memory_space<semaphore_mem>>) src(%arg15 : memref<80xf32, #tpu.memory_space<vmem>>) dst(%dma_wait3A_66 : memref<10240xf32, #tpu.memory_space<vmem_shared>>)
    %dma_wait3A_67 = arith.constant 0 : i32
    %dma_wait3A_68 = arith.constant 0 : i32
    %dma_wait3A_69 = tpu.memref_slice %arg2[%dma_wait3A_67, %dma_wait3A_68] : memref<320000x128xf32, #tpu.memory_space<hbm>> -> memref<80x128xf32, #tpu.memory_space<hbm>>
    %dma_wait3A_70 = arith.constant 0 : i32
    %dma_wait3A_71 = arith.constant 0 : i32
    %dma_wait3A_72 = tpu.memref_slice %arg2[%dma_wait3A_70, %dma_wait3A_71] : memref<320000x128xf32, #tpu.memory_space<hbm>> -> memref<80x128xf32, #tpu.memory_space<hbm>>
    tpu.wait_dma2 semaphore(%arg17 : memref<!tpu.dma_semaphore, #tpu.memory_space<semaphore_mem>>) src(%dma_wait3A_72 : memref<80x128xf32, #tpu.memory_space<hbm>>) dst(%arg14 : memref<80x128xf32, #tpu.memory_space<vmem>>)
    %dma_start3A_73 = arith.constant 0 : i32
    %dma_start3A_74 = arith.constant 0 : i32
    %dma_start3A_75 = tpu.memref_slice %arg9[%dma_start3A_73, %dma_start3A_74] : memref<10240x128xf32, #tpu.memory_space<vmem_shared>> -> memref<10240x128xf32, #tpu.memory_space<vmem_shared>>
    tpu.enqueue_indirect_dma source(%arg14 : memref<80x128xf32, #tpu.memory_space<vmem>>) target(%dma_start3A_75 : memref<10240x128xf32, #tpu.memory_space<vmem_shared>>) offsets(%arg12 : memref<80xi32, #tpu.memory_space<vmem>>) semaphore(%arg18 : memref<!tpu.dma_semaphore, #tpu.memory_space<semaphore_mem>>) {add = true}
    %dma_start3A_76 = arith.constant 0 : i32
    %dma_start3A_77 = tpu.memref_slice %arg10[%dma_start3A_76] : memref<10240xf32, #tpu.memory_space<vmem_shared>> -> memref<10240xf32, #tpu.memory_space<vmem_shared>>
    tpu.enqueue_indirect_dma source(%arg15 : memref<80xf32, #tpu.memory_space<vmem>>) target(%dma_start3A_77 : memref<10240xf32, #tpu.memory_space<vmem_shared>>) offsets(%arg12 : memref<80xi32, #tpu.memory_space<vmem>>) semaphore(%arg18 : memref<!tpu.dma_semaphore, #tpu.memory_space<semaphore_mem>>) {add = true}
    %dma_wait3A_78 = arith.constant 0 : i32
    %dma_wait3A_79 = arith.constant 0 : i32
    %dma_wait3A_80 = tpu.memref_slice %arg9[%dma_wait3A_78, %dma_wait3A_79] : memref<10240x128xf32, #tpu.memory_space<vmem_shared>> -> memref<10240x128xf32, #tpu.memory_space<vmem_shared>>
    tpu.wait_indirect_dma semaphore(%arg18 : memref<!tpu.dma_semaphore, #tpu.memory_space<semaphore_mem>>) src(%arg14 : memref<80x128xf32, #tpu.memory_space<vmem>>) dst(%dma_wait3A_80 : memref<10240x128xf32, #tpu.memory_space<vmem_shared>>)
    %dma_wait3A_81 = arith.constant 0 : i32
    %dma_wait3A_82 = tpu.memref_slice %arg10[%dma_wait3A_81] : memref<10240xf32, #tpu.memory_space<vmem_shared>> -> memref<10240xf32, #tpu.memory_space<vmem_shared>>
    tpu.wait_indirect_dma semaphore(%arg18 : memref<!tpu.dma_semaphore, #tpu.memory_space<semaphore_mem>>) src(%arg15 : memref<80xf32, #tpu.memory_space<vmem>>) dst(%dma_wait3A_82 : memref<10240xf32, #tpu.memory_space<vmem_shared>>)
    %barrier3A_83 = arith.constant 0 : index
    tpu.barrier barrier_id(%barrier3A_83)
    %mul3A_84 = arith.constant 640 : i32
    %mul3A_85 = arith.muli %arg1, %mul3A_84 : i32
    %mul3A_86 = arith.constant 640 : i32
    %mul3A_87 = arith.muli %arg1, %mul3A_86 : i32
    "tpu.region"() ({
      %run_scoped3A = tpu.sem_alloc : memref<!tpu.dma_semaphore, #tpu.memory_space<semaphore_mem>>
      %dma_start3A_92 = arith.constant 0 : i32
      %dma_start3A_93 = tpu.memref_slice %arg7[%arg0, %mul3A_87, %dma_start3A_92] : memref<2x10240x128xf32, #tpu.memory_space<hbm>> -> memref<1x640x128xf32, #tpu.memory_space<hbm>>
      %dma_start3A_94 = tpu.memref_squeeze %dma_start3A_93 : memref<1x640x128xf32, #tpu.memory_space<hbm>> -> memref<640x128xf32, #tpu.memory_space<hbm>>
      %dma_start3A_95 = arith.constant 0 : i32
      %dma_start3A_96 = tpu.memref_slice %arg9[%mul3A_85, %dma_start3A_95] : memref<10240x128xf32, #tpu.memory_space<vmem_shared>> -> memref<640x128xf32, #tpu.memory_space<vmem_shared>>
      tpu.enqueue_dma source(%dma_start3A_96 : memref<640x128xf32, #tpu.memory_space<vmem_shared>>) target(%dma_start3A_94 : memref<640x128xf32, #tpu.memory_space<hbm>>) target_semaphore(%run_scoped3A : memref<!tpu.dma_semaphore, #tpu.memory_space<semaphore_mem>>)
      %dma_wait3A_97 = arith.constant 0 : i32
      %dma_wait3A_98 = tpu.memref_slice %arg7[%arg0, %mul3A_87, %dma_wait3A_97] : memref<2x10240x128xf32, #tpu.memory_space<hbm>> -> memref<1x640x128xf32, #tpu.memory_space<hbm>>
      %dma_wait3A_99 = tpu.memref_squeeze %dma_wait3A_98 : memref<1x640x128xf32, #tpu.memory_space<hbm>> -> memref<640x128xf32, #tpu.memory_space<hbm>>
      %dma_wait3A_100 = arith.constant 0 : i32
      %dma_wait3A_101 = tpu.memref_slice %arg9[%mul3A_85, %dma_wait3A_100] : memref<10240x128xf32, #tpu.memory_space<vmem_shared>> -> memref<640x128xf32, #tpu.memory_space<vmem_shared>>
      tpu.wait_dma2 semaphore(%run_scoped3A : memref<!tpu.dma_semaphore, #tpu.memory_space<semaphore_mem>>) src(%dma_wait3A_101 : memref<640x128xf32, #tpu.memory_space<vmem_shared>>) dst(%dma_wait3A_99 : memref<640x128xf32, #tpu.memory_space<hbm>>)
      tpu.yield
    }) : () -> ()
    %mul3A_88 = arith.constant 640 : i32
    %mul3A_89 = arith.muli %arg1, %mul3A_88 : i32
    %mul3A_90 = arith.constant 640 : i32
    %mul3A_91 = arith.muli %arg1, %mul3A_90 : i32
    "tpu.region"() ({
      %run_scoped3A = tpu.sem_alloc : memref<!tpu.dma_semaphore, #tpu.memory_space<semaphore_mem>>
      %dma_start3A_92 = tpu.memref_slice %arg8[%arg0, %mul3A_91] : memref<2x10240xf32, #tpu.memory_space<hbm>> -> memref<1x640xf32, #tpu.memory_space<hbm>>
      %dma_start3A_93 = tpu.memref_squeeze %dma_start3A_92 : memref<1x640xf32, #tpu.memory_space<hbm>> -> memref<640xf32, #tpu.memory_space<hbm>>
      %dma_start3A_94 = tpu.memref_slice %arg10[%mul3A_89] : memref<10240xf32, #tpu.memory_space<vmem_shared>> -> memref<640xf32, #tpu.memory_space<vmem_shared>>
      tpu.enqueue_dma source(%dma_start3A_94 : memref<640xf32, #tpu.memory_space<vmem_shared>>) target(%dma_start3A_93 : memref<640xf32, #tpu.memory_space<hbm>>) target_semaphore(%run_scoped3A : memref<!tpu.dma_semaphore, #tpu.memory_space<semaphore_mem>>)
      %dma_wait3A_95 = tpu.memref_slice %arg8[%arg0, %mul3A_91] : memref<2x10240xf32, #tpu.memory_space<hbm>> -> memref<1x640xf32, #tpu.memory_space<hbm>>
      %dma_wait3A_96 = tpu.memref_squeeze %dma_wait3A_95 : memref<1x640xf32, #tpu.memory_space<hbm>> -> memref<640xf32, #tpu.memory_space<hbm>>
      %dma_wait3A_97 = tpu.memref_slice %arg10[%mul3A_89] : memref<10240xf32, #tpu.memory_space<vmem_shared>> -> memref<640xf32, #tpu.memory_space<vmem_shared>>
      tpu.wait_dma2 semaphore(%run_scoped3A : memref<!tpu.dma_semaphore, #tpu.memory_space<semaphore_mem>>) src(%dma_wait3A_97 : memref<640xf32, #tpu.memory_space<vmem_shared>>) dst(%dma_wait3A_96 : memref<640xf32, #tpu.memory_space<hbm>>)
      tpu.yield
    }) : () -> ()
    return
  }
}

module attributes {stable_mosaic.version = 14 : i64} {
  func.func @_prep_h_body(%arg0: memref<10000x128xf32, #tpu.memory_space<vmem>>, %arg1: memref<128x128xf32, #tpu.memory_space<vmem>>, %arg2: memref<128x128xf32, #tpu.memory_space<vmem>>, %arg3: memref<10000x128xf32, #tpu.memory_space<vmem>>, %arg4: memref<10000x128xf32, #tpu.memory_space<vmem>>) attributes {dimension_semantics = [], scalar_prefetch = 0 : i64, scratch_operands = 0 : i64, tpu.core_type = #tpu.core_type<tc>} {
    %get3A = arith.constant 0 : index
    %get3A_0 = arith.constant 0 : index
    %get3A_1 = vector.load %arg0[%get3A, %get3A_0] : memref<10000x128xf32, #tpu.memory_space<vmem>>, vector<10000x128xf32>
    %get3A_2 = arith.constant 0 : index
    %get3A_3 = arith.constant 0 : index
    %get3A_4 = vector.load %arg1[%get3A_2, %get3A_3] : memref<128x128xf32, #tpu.memory_space<vmem>>, vector<128x128xf32>
    %dot_general3A = arith.constant dense<0.000000e+00> : vector<10000x128xf32>
    %dot_general3A_5 = tpu.matmul %get3A_1, %get3A_4, %dot_general3A {dimension_numbers = #tpu.dot_dimension_numbers<[1], [0], [0], [1], [0, 0, 1, 1], [], []>, transpose_lhs_hint = false} : vector<10000x128xf32>, vector<128x128xf32>, vector<10000x128xf32> -> vector<10000x128xf32>
    %swap3A = arith.constant 0 : index
    %swap3A_6 = arith.constant 0 : index
    %swap3A_7 = vector.load %arg3[%swap3A, %swap3A_6] : memref<10000x128xf32, #tpu.memory_space<vmem>>, vector<10000x128xf32>
    tpu.vector_store %arg3[%swap3A, %swap3A_6], %dot_general3A_5 {strides = array<i32>} : memref<10000x128xf32, #tpu.memory_space<vmem>>, vector<10000x128xf32>,
    %get3A_8 = arith.constant 0 : index
    %get3A_9 = arith.constant 0 : index
    %get3A_10 = vector.load %arg2[%get3A_8, %get3A_9] : memref<128x128xf32, #tpu.memory_space<vmem>>, vector<128x128xf32>
    %dot_general3A_11 = arith.constant dense<0.000000e+00> : vector<10000x128xf32>
    %dot_general3A_12 = tpu.matmul %get3A_1, %get3A_10, %dot_general3A_11 {dimension_numbers = #tpu.dot_dimension_numbers<[1], [0], [0], [1], [0, 0, 1, 1], [], []>, transpose_lhs_hint = false} : vector<10000x128xf32>, vector<128x128xf32>, vector<10000x128xf32> -> vector<10000x128xf32>
    %swap3A_13 = arith.constant 0 : index
    %swap3A_14 = arith.constant 0 : index
    %swap3A_15 = vector.load %arg4[%swap3A_13, %swap3A_14] : memref<10000x128xf32, #tpu.memory_space<vmem>>, vector<10000x128xf32>
    tpu.vector_store %arg4[%swap3A_13, %swap3A_14], %dot_general3A_12 {strides = array<i32>} : memref<10000x128xf32, #tpu.memory_space<vmem>>, vector<10000x128xf32>,
    return
  }
}

module attributes {stable_mosaic.version = 14 : i64} {
  func.func @_final_e_body(%arg0: i32, %arg1: memref<2x2048x128xf32, #tpu.memory_space<vmem>>, %arg2: memref<2x2048x1xf32, #tpu.memory_space<vmem>>, %arg3: memref<128x128xf32, #tpu.memory_space<vmem>>, %arg4: memref<128x128xf32, #tpu.memory_space<vmem>>, %arg5: memref<128xf32, #tpu.memory_space<vmem>>, %arg6: memref<128xf32, #tpu.memory_space<vmem>>, %arg7: memref<2048x128xf32, #tpu.memory_space<vmem>>, %arg8: memref<2048x1xf32, #tpu.memory_space<vmem>>) attributes {dimension_semantics = [#tpu.dimension_semantics<arbitrary>], iteration_bounds = array<i64: 5>, scalar_prefetch = 0 : i64, scratch_operands = 0 : i64, tpu.core_type = #tpu.core_type<tc>, window_params = [{transform_indices = @transform_0, window_bounds = array<i64: 2, 2048, 128>}, {transform_indices = @transform_1, window_bounds = array<i64: 2, 2048, 1>}, {pipeline_mode = #tpu.pipeline_mode<synchronous>, transform_indices = @transform_2, window_bounds = array<i64: 128, 128>}, {pipeline_mode = #tpu.pipeline_mode<synchronous>, transform_indices = @transform_3, window_bounds = array<i64: 128, 128>}, {pipeline_mode = #tpu.pipeline_mode<synchronous>, transform_indices = @transform_4, window_bounds = array<i64: 128>}, {pipeline_mode = #tpu.pipeline_mode<synchronous>, transform_indices = @transform_5, window_bounds = array<i64: 128>}, {transform_indices = @transform_6, window_bounds = array<i64: 2048, 128>}, {transform_indices = @transform_7, window_bounds = array<i64: 2048, 1>}]} {
    %get3A = arith.constant 0 : index
    %get3A_0 = arith.constant 0 : index
    %get3A_1 = arith.constant 0 : index
    %get3A_2 = vector.load %arg2[%get3A, %get3A_0, %get3A_1] : memref<2x2048x1xf32, #tpu.memory_space<vmem>>, vector<1x2048x1xf32>
    %get3A_3 = vector.shape_cast %get3A_2 : vector<1x2048x1xf32> to vector<2048x1xf32>
    %get3A_4 = arith.constant 1 : index
    %get3A_5 = arith.constant 0 : index
    %get3A_6 = arith.constant 0 : index
    %get3A_7 = vector.load %arg2[%get3A_4, %get3A_5, %get3A_6] : memref<2x2048x1xf32, #tpu.memory_space<vmem>>, vector<1x2048x1xf32>
    %get3A_8 = vector.shape_cast %get3A_7 : vector<1x2048x1xf32> to vector<2048x1xf32>
    %get3A_9 = arith.constant 0 : index
    %get3A_10 = arith.constant 0 : index
    %get3A_11 = arith.constant 0 : index
    %get3A_12 = vector.load %arg1[%get3A_9, %get3A_10, %get3A_11] : memref<2x2048x128xf32, #tpu.memory_space<vmem>>, vector<1x2048x128xf32>
    %get3A_13 = vector.shape_cast %get3A_12 : vector<1x2048x128xf32> to vector<2048x128xf32>
    %get3A_14 = arith.constant 0 : index
    %get3A_15 = arith.constant 0 : index
    %get3A_16 = vector.load %arg3[%get3A_14, %get3A_15] : memref<128x128xf32, #tpu.memory_space<vmem>>, vector<128x128xf32>
    %dot_general3A = arith.constant dense<0.000000e+00> : vector<2048x128xf32>
    %dot_general3A_17 = tpu.matmul %get3A_13, %get3A_16, %dot_general3A {dimension_numbers = #tpu.dot_dimension_numbers<[1], [0], [0], [1], [0, 0, 1, 1], [], []>, transpose_lhs_hint = false} : vector<2048x128xf32>, vector<128x128xf32>, vector<2048x128xf32> -> vector<2048x128xf32>
    %get3A_18 = arith.constant 1 : index
    %get3A_19 = arith.constant 0 : index
    %get3A_20 = arith.constant 0 : index
    %get3A_21 = vector.load %arg1[%get3A_18, %get3A_19, %get3A_20] : memref<2x2048x128xf32, #tpu.memory_space<vmem>>, vector<1x2048x128xf32>
    %get3A_22 = vector.shape_cast %get3A_21 : vector<1x2048x128xf32> to vector<2048x128xf32>
    %get3A_23 = arith.constant 0 : index
    %get3A_24 = arith.constant 0 : index
    %get3A_25 = vector.load %arg4[%get3A_23, %get3A_24] : memref<128x128xf32, #tpu.memory_space<vmem>>, vector<128x128xf32>
    %dot_general3A_26 = arith.constant dense<0.000000e+00> : vector<2048x128xf32>
    %dot_general3A_27 = tpu.matmul %get3A_22, %get3A_25, %dot_general3A_26 {dimension_numbers = #tpu.dot_dimension_numbers<[1], [0], [0], [1], [0, 0, 1, 1], [], []>, transpose_lhs_hint = false} : vector<2048x128xf32>, vector<128x128xf32>, vector<2048x128xf32> -> vector<2048x128xf32>
    %add3A = arith.addf %dot_general3A_17, %dot_general3A_27 : vector<2048x128xf32>
    %get3A_28 = arith.constant 0 : index
    %get3A_29 = vector.load %arg5[%get3A_28] : memref<128xf32, #tpu.memory_space<vmem>>, vector<128xf32>
    %broadcast_in_dim3A = vector.shape_cast %get3A_29 : vector<128xf32> to vector<1x128xf32>
    %mul3A = vector.broadcast %get3A_3 : vector<2048x1xf32> to vector<2048x128xf32>
    %mul3A_30 = vector.broadcast %broadcast_in_dim3A : vector<1x128xf32> to vector<2048x128xf32>
    %mul3A_31 = arith.mulf %mul3A, %mul3A_30 : vector<2048x128xf32>
    %add3A_32 = arith.addf %add3A, %mul3A_31 : vector<2048x128xf32>
    %get3A_33 = arith.constant 0 : index
    %get3A_34 = vector.load %arg6[%get3A_33] : memref<128xf32, #tpu.memory_space<vmem>>, vector<128xf32>
    %broadcast_in_dim3A_35 = vector.shape_cast %get3A_34 : vector<128xf32> to vector<1x128xf32>
    %mul3A_36 = vector.broadcast %get3A_8 : vector<2048x1xf32> to vector<2048x128xf32>
    %mul3A_37 = vector.broadcast %broadcast_in_dim3A_35 : vector<1x128xf32> to vector<2048x128xf32>
    %mul3A_38 = arith.mulf %mul3A_36, %mul3A_37 : vector<2048x128xf32>
    %add3A_39 = arith.addf %add3A_32, %mul3A_38 : vector<2048x128xf32>
    %swap3A = arith.constant 0 : index
    %swap3A_40 = arith.constant 0 : index
    %swap3A_41 = vector.load %arg7[%swap3A, %swap3A_40] : memref<2048x128xf32, #tpu.memory_space<vmem>>, vector<2048x128xf32>
    tpu.vector_store %arg7[%swap3A, %swap3A_40], %add3A_39 {strides = array<i32>} : memref<2048x128xf32, #tpu.memory_space<vmem>>, vector<2048x128xf32>,
    %add3A_42 = arith.addf %get3A_3, %get3A_8 : vector<2048x1xf32>
    %swap3A_43 = arith.constant 0 : index
    %swap3A_44 = arith.constant 0 : index
    %swap3A_45 = vector.load %arg8[%swap3A_43, %swap3A_44] : memref<2048x1xf32, #tpu.memory_space<vmem>>, vector<2048x1xf32>
    tpu.vector_store %arg8[%swap3A_43, %swap3A_44], %add3A_42 {strides = array<i32>} : memref<2048x1xf32, #tpu.memory_space<vmem>>, vector<2048x1xf32>,
    return
  }
  func.func @transform_0(%arg0: i32) -> (i32, i32, i32) {
    %c0_i32 = arith.constant 0 : i32
    %c0_i32_0 = arith.constant 0 : i32
    %c0_i32_1 = arith.constant 0 : i32
    return %c0_i32, %arg0, %c0_i32_0 : i32, i32, i32
  }
  func.func @transform_1(%arg0: i32) -> (i32, i32, i32) {
    %c0_i32 = arith.constant 0 : i32
    %c0_i32_0 = arith.constant 0 : i32
    %c0_i32_1 = arith.constant 0 : i32
    return %c0_i32, %arg0, %c0_i32_0 : i32, i32, i32
  }
  func.func @transform_2(%arg0: i32) -> (i32, i32) {
    %c0_i32 = arith.constant 0 : i32
    %c0_i32_0 = arith.constant 0 : i32
    %c0_i32_1 = arith.constant 0 : i32
    return %c0_i32, %c0_i32_0 : i32, i32
  }
  func.func @transform_3(%arg0: i32) -> (i32, i32) {
    %c0_i32 = arith.constant 0 : i32
    %c0_i32_0 = arith.constant 0 : i32
    %c0_i32_1 = arith.constant 0 : i32
    return %c0_i32, %c0_i32_0 : i32, i32
  }
  func.func @transform_4(%arg0: i32) -> i32 {
    %c0_i32 = arith.constant 0 : i32
    %c0_i32_0 = arith.constant 0 : i32
    return %c0_i32 : i32
  }
  func.func @transform_5(%arg0: i32) -> i32 {
    %c0_i32 = arith.constant 0 : i32
    %c0_i32_0 = arith.constant 0 : i32
    return %c0_i32 : i32
  }
  func.func @transform_6(%arg0: i32) -> (i32, i32) {
    %c0_i32 = arith.constant 0 : i32
    %c0_i32_0 = arith.constant 0 : i32
    return %arg0, %c0_i32 : i32, i32
  }
  func.func @transform_7(%arg0: i32) -> (i32, i32) {
    %c0_i32 = arith.constant 0 : i32
    %c0_i32_0 = arith.constant 0 : i32
    return %arg0, %c0_i32 : i32, i32
  }
}

module attributes {stable_mosaic.version = 14 : i64} {
  func.func @_final_body(%arg0: i32, %arg1: memref<2x2048x128xf32, #tpu.memory_space<vmem>>, %arg2: memref<2048x128xf32, #tpu.memory_space<vmem>>, %arg3: memref<2048x1xf32, #tpu.memory_space<vmem>>, %arg4: memref<2048x128xf32, #tpu.memory_space<vmem>>, %arg5: memref<128xf32, #tpu.memory_space<vmem>>, %arg6: memref<128xf32, #tpu.memory_space<vmem>>, %arg7: memref<2048x128xf32, #tpu.memory_space<vmem>>) attributes {dimension_semantics = [#tpu.dimension_semantics<arbitrary>], iteration_bounds = array<i64: 5>, scalar_prefetch = 0 : i64, scratch_operands = 0 : i64, tpu.core_type = #tpu.core_type<tc>, window_params = [{transform_indices = @transform_0, window_bounds = array<i64: 2, 2048, 128>}, {transform_indices = @transform_1, window_bounds = array<i64: 2048, 128>}, {transform_indices = @transform_2, window_bounds = array<i64: 2048, 1>}, {transform_indices = @transform_3, window_bounds = array<i64: 2048, 128>}, {pipeline_mode = #tpu.pipeline_mode<synchronous>, transform_indices = @transform_4, window_bounds = array<i64: 128>}, {pipeline_mode = #tpu.pipeline_mode<synchronous>, transform_indices = @transform_5, window_bounds = array<i64: 128>}, {transform_indices = @transform_6, window_bounds = array<i64: 2048, 128>}]} {
    %get3A = arith.constant 0 : index
    %get3A_0 = arith.constant 0 : index
    %get3A_1 = arith.constant 0 : index
    %get3A_2 = vector.load %arg1[%get3A, %get3A_0, %get3A_1] : memref<2x2048x128xf32, #tpu.memory_space<vmem>>, vector<1x2048x128xf32>
    %get3A_3 = vector.shape_cast %get3A_2 : vector<1x2048x128xf32> to vector<2048x128xf32>
    %get3A_4 = arith.constant 1 : index
    %get3A_5 = arith.constant 0 : index
    %get3A_6 = arith.constant 0 : index
    %get3A_7 = vector.load %arg1[%get3A_4, %get3A_5, %get3A_6] : memref<2x2048x128xf32, #tpu.memory_space<vmem>>, vector<1x2048x128xf32>
    %get3A_8 = vector.shape_cast %get3A_7 : vector<1x2048x128xf32> to vector<2048x128xf32>
    %add3A = arith.addf %get3A_3, %get3A_8 : vector<2048x128xf32>
    %get3A_9 = arith.constant 0 : index
    %get3A_10 = arith.constant 0 : index
    %get3A_11 = vector.load %arg2[%get3A_9, %get3A_10] : memref<2048x128xf32, #tpu.memory_space<vmem>>, vector<2048x128xf32>
    %add3A_12 = arith.addf %add3A, %get3A_11 : vector<2048x128xf32>
    %get3A_13 = arith.constant 0 : index
    %get3A_14 = arith.constant 0 : index
    %get3A_15 = vector.load %arg3[%get3A_13, %get3A_14] : memref<2048x1xf32, #tpu.memory_space<vmem>>, vector<2048x1xf32>
    %add3A_16 = arith.constant 1.000000e-07 : f32
    %add3A_17 = vector.broadcast %add3A_16 : f32 to vector<2048x1xf32>
    %add3A_18 = arith.addf %get3A_15, %add3A_17 : vector<2048x1xf32>
    %div3A = vector.broadcast %add3A_18 : vector<2048x1xf32> to vector<2048x128xf32>
    %div3A_19 = arith.divf %add3A_12, %div3A : vector<2048x128xf32>
    %ge3A = arith.constant 0.000000e+00 : f32
    %ge3A_20 = vector.broadcast %ge3A : f32 to vector<2048x128xf32>
    %ge3A_21 = arith.cmpf oge, %div3A_19, %ge3A_20 : vector<2048x128xf32>
    %mul3A = arith.constant 0.00999999977 : f32
    %mul3A_22 = vector.broadcast %mul3A : f32 to vector<2048x128xf32>
    %mul3A_23 = arith.mulf %mul3A_22, %div3A_19 : vector<2048x128xf32>
    %select_n3A = arith.select %ge3A_21, %div3A_19, %mul3A_23 : vector<2048x128xi1>, vector<2048x128xf32>
    %get3A_24 = arith.constant 0 : index
    %get3A_25 = arith.constant 0 : index
    %get3A_26 = vector.load %arg4[%get3A_24, %get3A_25] : memref<2048x128xf32, #tpu.memory_space<vmem>>, vector<2048x128xf32>
    %add3A_27 = arith.addf %select_n3A, %get3A_26 : vector<2048x128xf32>
    %reduce_sum3A = arith.constant dense<0.000000e+00> : vector<2048xf32>
    %reduce_sum3A_28 = vector.multi_reduction <add>, %add3A_27, %reduce_sum3A [1] : vector<2048x128xf32> to vector<2048xf32>
    %broadcast_in_dim3A = vector.shape_cast %reduce_sum3A_28 : vector<2048xf32> to vector<2048x1xf32>
    %div3A_29 = arith.constant 1.280000e+02 : f32
    %div3A_30 = vector.broadcast %div3A_29 : f32 to vector<2048x1xf32>
    %div3A_31 = arith.divf %broadcast_in_dim3A, %div3A_30 : vector<2048x1xf32>
    %sub3A = vector.broadcast %div3A_31 : vector<2048x1xf32> to vector<2048x128xf32>
    %sub3A_32 = arith.subf %add3A_27, %sub3A : vector<2048x128xf32>
    %square3A = arith.mulf %sub3A_32, %sub3A_32 : vector<2048x128xf32>
    %reduce_sum3A_33 = arith.constant dense<0.000000e+00> : vector<2048xf32>
    %reduce_sum3A_34 = vector.multi_reduction <add>, %square3A, %reduce_sum3A_33 [1] : vector<2048x128xf32> to vector<2048xf32>
    %broadcast_in_dim3A_35 = vector.shape_cast %reduce_sum3A_34 : vector<2048xf32> to vector<2048x1xf32>
    %div3A_36 = arith.constant 1.280000e+02 : f32
    %div3A_37 = vector.broadcast %div3A_36 : f32 to vector<2048x1xf32>
    %div3A_38 = arith.divf %broadcast_in_dim3A_35, %div3A_37 : vector<2048x1xf32>
    %sub3A_39 = vector.broadcast %div3A_31 : vector<2048x1xf32> to vector<2048x128xf32>
    %sub3A_40 = arith.subf %add3A_27, %sub3A_39 : vector<2048x128xf32>
    %add3A_41 = arith.constant 9.99999974E-6 : f32
    %add3A_42 = vector.broadcast %add3A_41 : f32 to vector<2048x1xf32>
    %add3A_43 = arith.addf %div3A_38, %add3A_42 : vector<2048x1xf32>
    %sqrt3A = math.sqrt %add3A_43 : vector<2048x1xf32>
    %div3A_44 = vector.broadcast %sqrt3A : vector<2048x1xf32> to vector<2048x128xf32>
    %div3A_45 = arith.divf %sub3A_40, %div3A_44 : vector<2048x128xf32>
    %get3A_46 = arith.constant 0 : index
    %get3A_47 = vector.load %arg5[%get3A_46] : memref<128xf32, #tpu.memory_space<vmem>>, vector<128xf32>
    %broadcast_in_dim3A_48 = vector.shape_cast %get3A_47 : vector<128xf32> to vector<1x128xf32>
    %mul3A_49 = vector.broadcast %broadcast_in_dim3A_48 : vector<1x128xf32> to vector<2048x128xf32>
    %mul3A_50 = arith.mulf %div3A_45, %mul3A_49 : vector<2048x128xf32>
    %get3A_51 = arith.constant 0 : index
    %get3A_52 = vector.load %arg6[%get3A_51] : memref<128xf32, #tpu.memory_space<vmem>>, vector<128xf32>
    %broadcast_in_dim3A_53 = vector.shape_cast %get3A_52 : vector<128xf32> to vector<1x128xf32>
    %add3A_54 = vector.broadcast %broadcast_in_dim3A_53 : vector<1x128xf32> to vector<2048x128xf32>
    %add3A_55 = arith.addf %mul3A_50, %add3A_54 : vector<2048x128xf32>
    %swap3A = arith.constant 0 : index
    %swap3A_56 = arith.constant 0 : index
    %swap3A_57 = vector.load %arg7[%swap3A, %swap3A_56] : memref<2048x128xf32, #tpu.memory_space<vmem>>, vector<2048x128xf32>
    tpu.vector_store %arg7[%swap3A, %swap3A_56], %add3A_55 {strides = array<i32>} : memref<2048x128xf32, #tpu.memory_space<vmem>>, vector<2048x128xf32>,
    return
  }
  func.func @transform_0(%arg0: i32) -> (i32, i32, i32) {
    %c0_i32 = arith.constant 0 : i32
    %c0_i32_0 = arith.constant 0 : i32
    %c0_i32_1 = arith.constant 0 : i32
    return %c0_i32, %arg0, %c0_i32_0 : i32, i32, i32
  }
  func.func @transform_1(%arg0: i32) -> (i32, i32) {
    %c0_i32 = arith.constant 0 : i32
    %c0_i32_0 = arith.constant 0 : i32
    return %arg0, %c0_i32 : i32, i32
  }
  func.func @transform_2(%arg0: i32) -> (i32, i32) {
    %c0_i32 = arith.constant 0 : i32
    %c0_i32_0 = arith.constant 0 : i32
    return %arg0, %c0_i32 : i32, i32
  }
  func.func @transform_3(%arg0: i32) -> (i32, i32) {
    %c0_i32 = arith.constant 0 : i32
    %c0_i32_0 = arith.constant 0 : i32
    return %arg0, %c0_i32 : i32, i32
  }
  func.func @transform_4(%arg0: i32) -> i32 {
    %c0_i32 = arith.constant 0 : i32
    %c0_i32_0 = arith.constant 0 : i32
    return %c0_i32 : i32
  }
  func.func @transform_5(%arg0: i32) -> i32 {
    %c0_i32 = arith.constant 0 : i32
    %c0_i32_0 = arith.constant 0 : i32
    return %c0_i32 : i32
  }
  func.func @transform_6(%arg0: i32) -> (i32, i32) {
    %c0_i32 = arith.constant 0 : i32
    %c0_i32_0 = arith.constant 0 : i32
    return %arg0, %c0_i32 : i32, i32
  }
}

</mosaic_0001>

<sc_bundles>
// kernel: _run.10.cloned.1.call-start
scs
__scs_entry_jumppad:
0x0: {  	(pc) =	sbr.rel $0x88, $3  }
0x1: {  	(tag) =	ssettag $0x0;
	lr =	simm.s32 $0x1  }
0x2: {  	[smem:$0x3F98] =	sst lr;
	_ =	strace $0xD0000000  }
0x3: {  	_ = 	snop  }
0x4: {  	_ = 	snop  }
0x5: {  	_ = 	snop  }
0x6: {  	_ = 	snop  }
0x7: {  	_ = 	snop  }
__scs_overlays_trampoline_lowered:
0x8: {  	[smem:$0x3FA7] =	sst s0  }
0x9: {  	[smem:$0x3FA8] =	sst s1  }
0xa: {  	[smem:$0x3FA9] =	sst s2  }
0xb: {  	[smem:$0x3FAA] =	sst s3  }
0xc: {  	[smem:$0x3FAB] =	sst s4  }
0xd: {  	[smem:$0x3FAC] =	sst s5  }
0xe: {  	[smem:$0x3FAD] =	sst s6  }
0xf: {  	[smem:$0x3FAE] =	sst s7  }
0x10: {  	[smem:$0x3FAF] =	sst s8  }
0x11: {  	[smem:$0x3FB0] =	sst s9;
	s0 =	simm.s32 @!p0 $0x0  }
0x12: {  	s1 =	sld [smem:$0x3F96];
	s0 =	simm.s32 @p0 $0x1  }
0x13: {  	[smem:$0x3FB1] =	sst s0;
	s0 =	simm.s32 @!p1 $0x0  }
0x14: {  	s2 =	sld [smem:$0x3F95];
	s0 =	simm.s32 @p1 $0x1  }
0x15: {  	[smem:$0x3FB2] =	sst s0;
	s0 =	simm.s32 @!p2 $0x0  }
0x16: {  	s3 =	sld [smem:$0x3FDB];
	s0 =	simm.s32 @p2 $0x1  }
0x17: {  	s4 =	simm.s32 $0x1BF5;
	[smem:$0x3FB4] =	sst s0  }
0x18: {  	s0 =	sld [smem:$0x3F97];
	_ =	swait.ge [sflag:s4], $0x0  }
0x19: {  	s7 =	sld [smem:$0x3F98]  }
0x1a: {  	s8 =	sadd.s32 $0xFFFFE003, lr  }
0x1b: {  	s9 =	sadd.s32 $0xFFFFFEF7, lr;
	s5 =	simm.s32 $0xFFFFFFFF;
	p2 =	slt.u32 s8, $0xFFFFF086  }
0x1c: {  	p1 =	slt.u32 s9, $0xF7A;
	s5 =	simm.s32 @!p2 $0x0  }
0x1d: {  	s5 =	simm.s32 @p1 $0x1;
	p0 =	seq.s32 s7, s2  }
0x1e: {  	s7 =	smul.u32 @!p0 $0xF7A, s2;
	p2 =	seq.s32 @!p0 s5, $0x0  }
0x1f: {  	s9 =	smul.u32 $0xF7A, s1;
	s8 =	simm.s32 @!p0 $0x1BF5;
	p2 =	por !p2, p0  }
0x20: {  	[sflag:s8] =	ssyncset.s32 @!p0 $0xFFFFF086;
	s6 =	sadd.s32 @!p0 s3, s7;
	s7 =	simm.s32 @!p0 $0x108  }
0x21: {  	s3 =	sadd.s32 s3, s9;
	s6 =	sadd.s32 @!p0 $0x88, s6;
	s7 =	simm.s32 @p2 $0x1082  }
0x22: {  	[simem:s7], [sflag:s8] =	dma.local @!p0 [hbm:s6], $0xF7A  }
0x23: {  	s9 =	sor.u32 $0xD0000000, s2;
	s6 =	simm.s32 $0x108;
	_ =	swait.ge @!p0 [sflag:s8], $0x0  }
0x24: {  	s3 =	sadd.s32 $0x88, s3;
	s6 =	simm.s32 @!p1 $0x1082;
	[sflag:s4] =	ssyncset.s32 $0xFFFFF086  }
0x25: {  	[simem:s6], [sflag:s4] =	dma.local [hbm:s3], $0xF7A  }
0x26: {  	[smem:$0x3F98] =	sst s1;
	(tag) =	ssettag s2;
	_ =	strace s9  }
0x27: {  	s1 =	sld [smem:$0x3FA8]  }
0x28: {  	s2 =	sld [smem:$0x3FA9]  }
0x29: {  	s4 =	sld [smem:$0x3FAB]  }
0x2a: {  	p0 =	seq.s32 s5, $0x0;
	s5 =	sld [smem:$0x3FAC]  }
0x2b: {  	s6 =	sld [smem:$0x3FAD]  }
0x2c: {  	s7 =	sld [smem:$0x3FAE]  }
0x2d: {  	s3 =	simm.s32 $0x108;
	s8 =	sld [smem:$0x3FAF]  }
0x2e: {  	s3 =	simm.s32 @!p0 $0x1082;
	s9 =	sld [smem:$0x3FB0]  }
0x2f: {  	lr =	sadd.s32 s0, s3;
	s0 =	sld [smem:$0x3FA7]  }
0x30: {  	s3 =	sld [smem:$0x3FAA]  }
0x31: {  	[smem:$0x3FB3] =	sst s10  }
0x32: {  	s10 =	sld [smem:$0x3FB1];
	_ =	sdelay $0x3  }
0x33: {  	p0 =	seq.s32 s10, $0x1;
	s10 =	sld [smem:$0x3FB3];
	_ =	sdelay $0x3  }
0x34: {  	[smem:$0x3FB3] =	sst s10  }
0x35: {  	s10 =	sld [smem:$0x3FB2];
	_ =	sdelay $0x3  }
0x36: {  	p1 =	seq.s32 s10, $0x1;
	s10 =	sld [smem:$0x3FB3];
	_ =	sdelay $0x3  }
0x37: {  	[smem:$0x3FB3] =	sst s10  }
0x38: {  	s10 =	sld [smem:$0x3FB4]  }
0x39: {  	_ = 	snop;
	(pc) =	sbr.ind lr, $3  }
0x3a: {  	_ = 	snop  }
0x3b: {  	_ = 	snop  }
0x3c: {  	p2 =	seq.s32 s10, $0x1;
	s10 =	sld [smem:$0x3FB3]  }
0x3d: {  	_ =	shalt  }
0x3e: {  	_ =	shalt  }
0x3f: {  	_ =	shalt  }
0x40: {  	_ =	shalt  }
0x41: {  	_ =	shalt  }
0x42: {  	_ =	shalt  }
0x43: {  	_ =	shalt  }
0x44: {  	_ =	shalt  }
0x45: {  	_ =	shalt  }
0x46: {  	_ =	shalt  }
0x47: {  	_ =	shalt  }
0x48: {  	_ =	shalt  }
0x49: {  	_ =	shalt  }
0x4a: {  	_ =	shalt  }
0x4b: {  	_ =	shalt  }
0x4c: {  	_ =	shalt  }
0x4d: {  	_ =	shalt  }
0x4e: {  	_ =	shalt  }
0x4f: {  	_ =	shalt  }
0x50: {  	_ =	shalt  }
0x51: {  	_ =	shalt  }
0x52: {  	_ =	shalt  }
0x53: {  	_ =	shalt  }
0x54: {  	_ =	shalt  }
0x55: {  	_ =	shalt  }
0x56: {  	_ =	shalt  }
0x57: {  	_ =	shalt  }
0x58: {  	_ =	shalt  }
0x59: {  	_ =	shalt  }
0x5a: {  	_ =	shalt  }
0x5b: {  	_ =	shalt  }
0x5c: {  	_ =	shalt  }
0x5d: {  	_ =	shalt  }
0x5e: {  	_ =	shalt  }
0x5f: {  	_ =	shalt  }
0x60: {  	_ =	shalt  }
0x61: {  	_ =	shalt  }
0x62: {  	_ =	shalt  }
0x63: {  	_ =	shalt  }
0x64: {  	_ =	shalt  }
0x65: {  	_ =	shalt  }
0x66: {  	_ =	shalt  }
0x67: {  	_ =	shalt  }
0x68: {  	_ =	shalt  }
0x69: {  	_ =	shalt  }
0x6a: {  	_ =	shalt  }
0x6b: {  	_ =	shalt  }
0x6c: {  	_ =	shalt  }
0x6d: {  	_ =	shalt  }
0x6e: {  	_ =	shalt  }
0x6f: {  	_ =	shalt  }
0x70: {  	_ =	shalt  }
0x71: {  	_ =	shalt  }
0x72: {  	_ =	shalt  }
0x73: {  	_ =	shalt  }
0x74: {  	_ =	shalt  }
0x75: {  	_ =	shalt  }
0x76: {  	_ =	shalt  }
0x77: {  	_ =	shalt  }
0x78: {  	_ =	shalt  }
0x79: {  	_ =	shalt  }
0x7a: {  	_ =	shalt  }
0x7b: {  	_ =	shalt  }
0x7c: {  	_ =	shalt  }
0x7d: {  	_ =	shalt  }
0x7e: {  	_ =	shalt  }
0x7f: {  	_ =	shalt  }
0x80: {  	_ =	shalt  }
0x81: {  	_ =	shalt  }
0x82: {  	_ =	shalt  }
0x83: {  	_ =	shalt  }
0x84: {  	_ =	shalt  }
0x85: {  	_ =	shalt  }
0x86: {  	_ =	shalt  }
0x87: {  	_ =	shalt  }
.Lfunc_end0:
.L_simem_size_0:
called_computation.1_lowered:
.L_overlay_start_0:
0x88: {  	s2 =	sld [smem:$0x3FD9]  }
0x89: {  	s3 =	sld [smem:$0x3FFE];
	_ =	sdelay $0x1  }
0x8a: {  	s1 =	srdreg.scid  }
0x8b: {  	s0 =	sand.u32 $0x1, s1  }
0x8c: {  	s17 =	sshll.u32 s0, $0xA;
	s2 =	sadd.s32 s3, s2  }
0x8d: {  	s2 =	sadd.s32 s2, s17  }
0x8e: {  	[smem:$0x3FBF] =	sst s2  }
0x8f: {  	_ = 	snop  }
0x90: {  	s18 =	sld [smem:$0x3FD0];
	(tm) =	ssettm $0x1  }
0x91: {  	s19 =	sld [smem:$0x3FFB];
	_ =	sdelay $0x3  }
0x92: {  	_ =	strace s19  }
0x93: {  	s2 =	sld [smem:$0x3FFC];
	_ =	sdelay $0x3  }
0x94: {  	_ =	strace s2  }
0x95: {  	s2 =	sld [smem:$0x3FFD];
	_ =	sdelay $0x3  }
0x96: {  	_ =	strace s2  }
0x97: {  	_ =	strace $0x8FFFFFFF  }
0x98: {  	s20 =	sld [smem:$0x3FDB];
	_ =	sdelay $0x1  }
0x99: {  	s4 =	simm.s32 $_scs_section_size  }
0x9a: {  	s5 =	simm.s32 $_size__tile_overlayer_lowered;
	s6 =	simm.s32 $_tile_overlayer_lowered  }
0x9b: {  	s7 =	simm.s32 $0x1BFF;
	s21 =	sshll.u32 s6, $0x1;
	s4 =	sadd.s32 s4, s20  }
0x9c: {  	s22 =	simm.s32 $0x0;
	s5 =	sshll.u32 s5, $0x1;
	s6 =	sadd.s32 s21, s4  }
0x9d: {  	[timem:s22], [sflag:s7] =	dma.local [hbm:s6], s5  }
0x9e: {  	_ =	swait.ge [sflag:s7], s5  }
0x9f: {  	s5 =	ssub.s32 $0x0, s5;
	[sflag:s7] =	ssyncset.done $0x0  }
0xa0: {  	[sflag:s7] =	ssyncadd.s32 s5;
	_ =	sdelay $0x1  }
0xa1: {  	s23 =	simm.s32 $0x1B8B  }
0xa2: {  	_ =	swait.ge [sflag:s23], $0x1  }
0xa3: {  	[sflag:s23] =	ssyncset.done $0x0  }
0xa4: {  	[sflag:s23] =	ssyncadd.s32 $0xFFFFFFFF  }
0xa5: {  	s5 =	sld [smem:$0x0]  }
0xa6: {  	s6 =	sand.u32 $0xFFFFFFFE, s1  }
0xa7: {  	p0 =	sne.s32 s1, s6  }
0xa8: {  	s6 =	sshll.u32 @p0 s6, $0xE  }
0xa9: {  	s6 =	sadd.s32 @p0 $0x11B8D, s6;
	s7 =	sshll.u32 @p0 s5, $0x11  }
0xaa: {  	s6 =	sor.u32 @p0 s7, s6  }
0xab: {  	[sflag:s6] =	ssyncadd.remote.s32 @p0 $0x1;
	_ =	sdelay $0x1  }
0xac: {  	s6 =	simm.s32 @p0 $0x1B8D  }
0xad: {  	_ =	swait.eq @p0 [sflag:s6], $0x1  }
0xae: {  	[sflag:s6] =	ssyncadd.s32 @p0 $0xFFFFFFFF  }
0xaf: {  	s7 =	sshll.u32 @!p0 s1, $0xE  }
0xb0: {  	s7 =	sor.u32 @!p0 $0x4000, s7;
	s6 =	simm.s32 @!p0 $0x1B8D  }
0xb1: {  	s5 =	sshll.u32 @!p0 s5, $0x11;
	s7 =	sadd.s32 @!p0 $0x11B8D, s7;
	_ =	swait.eq @!p0 [sflag:s6], $0x1  }
0xb2: {  	s5 =	sor.u32 @!p0 s5, s7;
	[sflag:s6] =	ssyncadd.s32 @!p0 $0xFFFFFFFF  }
0xb3: {  	s25 =	simm.s32 $0x1B8E;
	s24 =	sld [smem:$0x3FFE];
	[sflag:s5] =	ssyncadd.remote.s32 @!p0 $0x1  }
0xb4: {  	s26 =	simm.s32 $execute0_lowered;
	[smem:$0x3FD2] =	sst s25  }
0xb5: {  	s6 =	sshll.u32 s26, $0x1;
	_ =	strace $0x80000049;
	[dreg:$0x1] =	wrdreg $0xFFFFFFFF  }
0xb6: {  	s28 =	simm.s32 $_size_execute0_lowered;
	s4 =	sadd.s32 s4, s6;
	[dreg:$0x0] =	wrdreg $0x0  }
0xb7: {  	s6 =	sshll.u32 s28, $0x1;
	[dreg:$0x2] =	wrdreg s4  }
0xb8: {  	[dreg:$0x3] =	wrdreg s6  }
0xb9: {  	[dreg:$0x4] =	wrdreg $0xC0  }
0xba: {  	_ =	task [dreg:s22], $0x5FFFF  }
0xbb: {  	[dreg:$0x1] =	wrdreg $0xFFFFFFFF  }
0xbc: {  	[dreg:$0x0] =	wrdreg $0x60  }
0xbd: {  	[dreg:$0x2] =	wrdreg s18  }
0xbe: {  	[dreg:$0x3] =	wrdreg s24  }
0xbf: {  	[dreg:$0x4] =	wrdreg $0x0  }
0xc0: {  	[dreg:$0x5] =	wrdreg $0xA  }
0xc1: {  	_ =	task.clear_ibuf [dreg:s22], $0x6FFFF;
	_ =	strace $0x90000049  }
0xc2: {  	s29 =	simm.s32 $0xA;
	_ =	strace $0x8000004B  }
0xc3: {  	_ =	swait.ge [sflag:s29], $0x1  }
0xc4: {  	[sflag:s29] =	ssyncadd.s32 $0xFFFFFFFF  }
0xc5: {  	_ =	strace $0x9000004B  }
0xc6: {  	_ =	sfence  }
0xc7: {  	s30 =	sld [smem:$0x0];
	_ =	sdelay $0x2  }
0xc8: {  	s31 =	sshll.u32 s1, $0xD;
	s1 =	sshrl.u32 s1, $0x2  }
0xc9: {  	s4 =	sand.u32 $0x4000, s31;
	s1 =	sadd.s32 s1, s30  }
0xca: {  	s0 =	sor.u32 s4, s0;
	s1 =	sshll.u32 s1, $0x11  }
0xcb: {  	s0 =	sor.u32 s1, s0  }
0xcc: {  	s0 =	sadd.s32 $0x8F2B, s0  }
0xcd: {  	[sflag:s0] =	ssyncadd.remote.s32 $0x1  }
0xce: {  	_ =	sfence.sel $0xFFFF  }
0xcf: {  	[dreg:$0x0] =	wrdreg $0xFFFFFFFF;
	(pc) =	sbr.abs _section_cstart, $3  }
0xd0: {  	[dreg:$0x1] =	wrdreg $0xFFFFFFFF  }
0xd1: {  	_ =	task.clear_ibuf [dreg:s22], $0x2FFFF;
	_ =	strace $0x9FFFFFFF  }
0xd2: {  	(tm) =	ssettm $0x7FFFFFFF  }
0xd3: {  	_ =	shalt  }
tec
execute0_lowered:
.L_overlay_start_1:
0x0: {  	(tag) =	ssettag $0x1  }
0x1: {  	s1 =	rddreg [dreg:$0x0]  }
0x2: {  	s0 =	rddreg [dreg:$0x1]  }
0x3: {  	s3 =	rddreg [dreg:$0x2];
	s4 =	simm.s32 $0x0  }
0x4: {  	s13 =	stileid.u32;
	s2 =	srdreg.scid;
	s14 =	simm.s32 $0x14128  }
0x5: {  	s29 =	simm.s32 $0x14028;
	s30 =	simm.s32 $0x15600;
	s31 =	simm.s32 $0x140A8  }
0x6: {  	[smem:$0x7FF] =	sst s4;
	s8 =	smul.u32 $0x14000, s13;
	s2 =	sand.u32 $0x1, s2  }
0x7: {  	s5 =	sadd.s32 $0xA3000, s0;
	s6 =	sadd.s32 $0xC600, s0;
	s11 =	smul.u32 $0x50000, s13  }
0x8: {  	s7 =	sadd.s32 $0x2800, s0;
	s17 =	smul.u32 $0x2710, s13;
	s18 =	sshll.u32 s13, $0x6  }
0x9: {  	_ =	strace $0x8000004A;
	s9 =	smul.u32 $0x140000, s2;
	s15 =	sshll.u32 s2, $0x4  }
0xa: {  	s16 =	ssub.s32 $0x2, s2;
	s2 =	smul.u32 $0x27100, s2;
	s18 =	sor.u32 $0x1C04, s18  }
0xb: {  	s10 =	sshrl.u32 s8, $0x3;
	s12 =	sshrl.u32 s16, $0x1;
	s11 =	sshrl.u32 s11, $0x2  }
0xc: {  	[dreg:$0x8] =	wrdreg s18;
	s10 =	sadd.s32 s10, s0;
	s8 =	sadd.s32 s8, s9  }
0xd: {  	s9 =	sor.u32 s13, s15;
	s11 =	sadd.s32 s11, s3;
	s2 =	sadd.s32 s17, s2  }
0xe: {  	s15 =	simm.s32 $0x1A600;
	s17 =	simm.s32 $0x3;
	s13 =	simm.s32 $0x0  }
0xf: {  	s8 =	sshrl.u32 s8, $0x3;
	s9 =	smul.u32 $0x2710, s9;
	[dreg:$0x6] =	wrdreg s11  }
0x10: {  	s10 =	sadd.s32 $0x29E00, s10;
	s11 =	sadd.s32 $0xF0, s2;
	s28 =	sadd.s32 $0xA0, s2  }
0x11: {  	s2 =	simm.s32 $0x14180;
	s0 =	sadd.s32 s8, s0;
	[dreg:$0x7] =	wrdreg s10  }
0x12: {  	s8 =	ssub.s32 s16, s12;
	s11 =	sshrl.u32 s11, $0x3;
	[dreg:$0x11] =	wrdreg s28  }
0x13: {  	s12 =	simm.s32 $0x1BA00;
	s16 =	simm.s32 $0x1CE00;
	s24 =	sadd.s32 s11, s7  }
0x14: {  	s9 =	sshrl.u32 s9, $0x3;
	s0 =	sadd.s32 $0xCA200, s0;
	[dreg:$0x4] =	wrdreg s24  }
0x15: {  	s25 =	sadd.s32 s11, s6;
	s26 =	smax.u32 s8, $0x1;
	[dreg:$0xf] =	wrdreg s0  }
0x16: {  	s8 =	simm.s32 $0x2;
	s11 =	simm.s32 $0x19200;
	[dreg:$0x10] =	wrdreg s26  }
0x17: {  	s19 =	sadd.s32 s6, s9;
	s20 =	sadd.s32 s7, s9;
	[dreg:$0x5] =	wrdreg s25  }
0x18: {  	s21 =	sadd.s32 $0xA, s9;
	s9 =	sadd.s32 $0x4D8, s9;
	[dreg:$0x9] =	wrdreg s19  }
0x19: {  	s24 =	simm.s32 $0x28;
	[dreg:$0xa] =	wrdreg s20;
	s22 =	sadd.s32 s6, s21  }
0x1a: {  	s25 =	simm.s32 $0x14200;
	s10 =	sadd.s32 s7, s21;
	[dreg:$0xb] =	wrdreg s22  }
0x1b: {  	s26 =	simm.s32 $0x16A00;
	s23 =	sadd.s32 s6, s9;
	[dreg:$0xc] =	wrdreg s10  }
0x1c: {  	s0 =	simm.s32 $0x14100;
	s9 =	sadd.s32 s7, s9;
	[dreg:$0xd] =	wrdreg s23  }
0x1d: {  	s19 =	simm.s32 $0x4;
	s21 =	simm.s32 $0x14000;
	[dreg:$0xe] =	wrdreg s9  }
0x1e: {  	s22 =	simm.s32 $0x14080;
	s23 =	simm.s32 $0x1;
	s9 =	simm.s32 $0x50  }
.LBB2_1:
0x1f: {  	[dreg:$0x12] =	wrdreg s13  }
0x20: {  	s10 =	rddreg [dreg:$0x6]  }
0x21: {  	s20 =	rddreg [dreg:$0x7];
	s10 =	sshrl.u32 s10, $0x3  }
0x22: {  	[dreg:$0x13] =	wrdreg s10  }
0x23: {  	[spmem:s10], [sflag:s18] =	dma.local [hbm:s20], $0x2800  }
0x24: {  	_ =	swait.ge [sflag:s19], $0x2800  }
0x25: {  	[sflag:s19] =	ssyncset.done $0x0  }
0x26: {  	[sflag:s19] =	ssyncadd.s32 $0xFFFFD800  }
0x27: {  	[bflag:$0x0] =	sbarrier.arrive $0xFFFF  }
0x28: {  	s28 =	rddreg [dreg:$0x9]  }
0x29: {  	[tilespmem:s21], [sflag:$0x1] =	stream.linear.gather [hbm4b:s28+s4], $0x50, $0x38;
	[tilespmem:$0x1E200] =	vst v63  }
0x2a: {  	s13 =	rddreg [dreg:$0xa]  }
0x2b: {  	[tilespmem:s22], [sflag:$0x1] =	stream.linear.gather [hbm4b:s13+s4], $0x50, $0x38;
	[tilespmem:$0x1E200] =	vst v63  }
0x2c: {  	_ =	swait.ge [sflag:s23], $0x50  }
0x2d: {  	[sflag:s23] =	ssyncset.done $0x0  }
0x2e: {  	[sflag:s23] =	ssyncadd.s32 $0xFFFFFFB0  }
0x2f: {  	_ =	swait.ge [sflag:s23], $0x50  }
0x30: {  	[sflag:s23] =	ssyncset.done $0x0  }
0x31: {  	[sflag:s23] =	ssyncadd.s32 $0xFFFFFFB0  }
0x32: {  	[tilespmem:s25], [sflag:$0x2] =	stream.indirect.gather [hbm4b:s1+s24], $0x80, s21, s24, $0xb8;
	[tilespmem:$0x1E200] =	vst v63  }
0x33: {  	_ = 	snop  }
0x34: {  	[tilespmem:s26], [sflag:$0x2] =	stream.indirect.gather [hbm4b:s5+s24], $0x80, s22, s24, $0xb8;
	[tilespmem:$0x1E200] =	vst v63  }
0x35: {  	s28 =	simm.s32 $0x15600;
	s13 =	simm.s32 $0x14028  }
0x36: {  	[tilespmem:s28], [sflag:$0x2] =	stream.indirect.gather [hbm4b:s1+s24], $0x80, s13, s24, $0xb8;
	[tilespmem:$0x1E200] =	vst v63  }
0x37: {  	s18 =	simm.s32 $0x140A8;
	s20 =	simm.s32 $0x17E00  }
0x38: {  	[tilespmem:s20], [sflag:$0x2] =	stream.indirect.gather [hbm4b:s5+s24], $0x80, s18, s24, $0xb8;
	[tilespmem:$0x1E200] =	vst v63  }
0x39: {  	s19 =	rddreg [dreg:$0xb]  }
0x3a: {  	[tilespmem:s0], [sflag:$0x1] =	stream.linear.gather [hbm4b:s19+s4], $0x50, $0x38;
	[tilespmem:$0x1E200] =	vst v63  }
0x3b: {  	s18 =	rddreg [dreg:$0xc]  }
0x3c: {  	[tilespmem:s2], [sflag:$0x1] =	stream.linear.gather [hbm4b:s18+s4], $0x50, $0x38;
	[tilespmem:$0x1E200] =	vst v63  }
0x3d: {  	_ =	swait.ge [sflag:s8], $0x1400  }
0x3e: {  	[sflag:s8] =	ssyncset.done $0x0  }
0x3f: {  	[sflag:s8] =	ssyncadd.s32 $0xFFFFEC00  }
0x40: {  	_ =	swait.ge [sflag:s8], $0x1400  }
0x41: {  	[sflag:s8] =	ssyncset.done $0x0  }
0x42: {  	[sflag:s8] =	ssyncadd.s32 $0xFFFFEC00  }
0x43: {  	_ =	swait.ge [sflag:s8], $0x1400  }
0x44: {  	[sflag:s8] =	ssyncset.done $0x0  }
0x45: {  	[sflag:s8] =	ssyncadd.s32 $0xFFFFEC00  }
0x46: {  	_ =	swait.ge [sflag:s8], $0x1400  }
0x47: {  	[sflag:s8] =	ssyncset.done $0x0  }
0x48: {  	[sflag:s8] =	ssyncadd.s32 $0xFFFFEC00  }
0x49: {  	[spmem:s3] =	stream.indirect.scatter.add.f32 [tilespmem:s25], [sflag:$0x3], $0x80, s22, s9, $0xb8;
	[tilespmem:$0x1E200] =	vst v63  }
0x4a: {  	_ = 	snop  }
0x4b: {  	[spmem:s3] =	stream.indirect.scatter.add.f32 [tilespmem:s26], [sflag:$0x3], $0x80, s21, s9, $0xb8;
	[tilespmem:$0x1E200] =	vst v63  }
0x4c: {  	_ =	swait.ge [sflag:s23], $0x50  }
0x4d: {  	[sflag:s23] =	ssyncset.done $0x0  }
0x4e: {  	[sflag:s23] =	ssyncadd.s32 $0xFFFFFFB0  }
0x4f: {  	_ =	swait.ge [sflag:s23], $0x50  }
0x50: {  	[sflag:s23] =	ssyncset.done $0x0  }
0x51: {  	[sflag:s23] =	ssyncadd.s32 $0xFFFFFFB0  }
0x52: {  	[tilespmem:s11], [sflag:$0x2] =	stream.indirect.gather [hbm4b:s1+s24], $0x80, s0, s24, $0xb8;
	[tilespmem:$0x1E200] =	vst v63  }
0x53: {  	_ = 	snop  }
0x54: {  	[tilespmem:s12], [sflag:$0x2] =	stream.indirect.gather [hbm4b:s5+s24], $0x80, s2, s24, $0xb8;
	[tilespmem:$0x1E200] =	vst v63  }
0x55: {  	_ = 	snop  }
0x56: {  	[tilespmem:s15], [sflag:$0x2] =	stream.indirect.gather [hbm4b:s1+s24], $0x80, s14, s24, $0xb8;
	[tilespmem:$0x1E200] =	vst v63  }
0x57: {  	s19 =	simm.s32 $0x141A8  }
0x58: {  	[tilespmem:s16], [sflag:$0x2] =	stream.indirect.gather [hbm4b:s5+s24], $0x80, s19, s24, $0xb8;
	[tilespmem:$0x1E200] =	vst v63  }
0x59: {  	_ =	swait.ge [sflag:s17], $0x2800  }
0x5a: {  	[sflag:s17] =	ssyncset.done $0x0  }
0x5b: {  	[sflag:s17] =	ssyncadd.s32 $0xFFFFD800  }
0x5c: {  	_ =	swait.ge [sflag:s17], $0x2800  }
0x5d: {  	s18 =	rddreg [dreg:$0x11]  }
0x5e: {  	[sflag:s17] =	ssyncset.done $0x0;
	s14 =	sshrl.u32 s18, $0x3  }
0x5f: {  	[sflag:s17] =	ssyncadd.s32 $0xFFFFD800;
	s15 =	sadd.s32 s6, s14  }
0x60: {  	[tilespmem:s21], [sflag:$0x1] =	stream.linear.gather [hbm4b:s15+s4], $0x50, $0x38;
	[tilespmem:$0x1E200] =	vst v63  }
0x61: {  	s10 =	sadd.s32 s7, s14  }
0x62: {  	[tilespmem:s22], [sflag:$0x1] =	stream.linear.gather [hbm4b:s10+s4], $0x50, $0x38;
	[tilespmem:$0x1E200] =	vst v63  }
0x63: {  	_ =	swait.ge [sflag:s8], $0x1400  }
0x64: {  	[sflag:s8] =	ssyncset.done $0x0  }
0x65: {  	[sflag:s8] =	ssyncadd.s32 $0xFFFFEC00  }
0x66: {  	_ =	swait.ge [sflag:s8], $0x1400  }
0x67: {  	[sflag:s8] =	ssyncset.done $0x0  }
0x68: {  	[sflag:s8] =	ssyncadd.s32 $0xFFFFEC00  }
0x69: {  	_ =	swait.ge [sflag:s8], $0x1400  }
0x6a: {  	[sflag:s8] =	ssyncset.done $0x0  }
0x6b: {  	[sflag:s8] =	ssyncadd.s32 $0xFFFFEC00  }
0x6c: {  	_ =	swait.ge [sflag:s8], $0x1400  }
0x6d: {  	[sflag:s8] =	ssyncset.done $0x0  }
0x6e: {  	[sflag:s8] =	ssyncadd.s32 $0xFFFFEC00  }
0x6f: {  	[spmem:s3] =	stream.indirect.scatter.add.f32 [tilespmem:s11], [sflag:$0x3], $0x80, s2, s9, $0xb8;
	[tilespmem:$0x1E200] =	vst v63  }
0x70: {  	_ = 	snop  }
0x71: {  	[spmem:s3] =	stream.indirect.scatter.add.f32 [tilespmem:s12], [sflag:$0x3], $0x80, s0, s9, $0xb8;
	[tilespmem:$0x1E200] =	vst v63  }
0x72: {  	_ =	swait.ge [sflag:s23], $0x50  }
0x73: {  	[sflag:s23] =	ssyncset.done $0x0  }
0x74: {  	[sflag:s23] =	ssyncadd.s32 $0xFFFFFFB0  }
0x75: {  	_ =	swait.ge [sflag:s23], $0x50  }
0x76: {  	[sflag:s23] =	ssyncset.done $0x0  }
0x77: {  	[sflag:s23] =	ssyncadd.s32 $0xFFFFFFB0  }
0x78: {  	[tilespmem:s25], [sflag:$0x2] =	stream.indirect.gather [hbm4b:s1+s24], $0x80, s21, s24, $0xb8;
	[tilespmem:$0x1E200] =	vst v63  }
0x79: {  	_ = 	snop  }
0x7a: {  	[tilespmem:s26], [sflag:$0x2] =	stream.indirect.gather [hbm4b:s5+s24], $0x80, s22, s24, $0xb8;
	[tilespmem:$0x1E200] =	vst v63  }
0x7b: {  	_ = 	snop  }
0x7c: {  	[tilespmem:s28], [sflag:$0x2] =	stream.indirect.gather [hbm4b:s1+s24], $0x80, s13, s24, $0xb8;
	[tilespmem:$0x1E200] =	vst v63  }
0x7d: {  	s28 =	simm.s32 $0x140A8  }
0x7e: {  	[tilespmem:s20], [sflag:$0x2] =	stream.indirect.gather [hbm4b:s5+s24], $0x80, s28, s24, $0xb8;
	[tilespmem:$0x1E200] =	vst v63  }
0x7f: {  	_ =	swait.ge [sflag:s17], $0x2800  }
0x80: {  	[sflag:s17] =	ssyncset.done $0x0  }
0x81: {  	[sflag:s17] =	ssyncadd.s32 $0xFFFFD800  }
0x82: {  	_ =	swait.ge [sflag:s17], $0x2800  }
0x83: {  	s19 =	rddreg [dreg:$0x5];
	[sflag:s17] =	ssyncset.done $0x0  }
0x84: {  	s20 =	rddreg [dreg:$0x4];
	[sflag:s17] =	ssyncadd.s32 $0xFFFFD800;
	s10 =	sadd.s32 $0x0, s19  }
0x85: {  	[tilespmem:s0], [sflag:$0x1] =	stream.linear.gather [hbm4b:s10+s4], $0x50, $0x38;
	[tilespmem:$0x1E200] =	vst v63  }
0x86: {  	s28 =	sadd.s32 $0x0, s20  }
0x87: {  	[tilespmem:s2], [sflag:$0x1] =	stream.linear.gather [hbm4b:s28+s4], $0x50, $0x38;
	[tilespmem:$0x1E200] =	vst v63  }
0x88: {  	_ =	swait.ge [sflag:s8], $0x1400  }
0x89: {  	[sflag:s8] =	ssyncset.done $0x0  }
0x8a: {  	[sflag:s8] =	ssyncadd.s32 $0xFFFFEC00  }
0x8b: {  	_ =	swait.ge [sflag:s8], $0x1400  }
0x8c: {  	[sflag:s8] =	ssyncset.done $0x0  }
0x8d: {  	[sflag:s8] =	ssyncadd.s32 $0xFFFFEC00  }
0x8e: {  	_ =	swait.ge [sflag:s8], $0x1400  }
0x8f: {  	[sflag:s8] =	ssyncset.done $0x0  }
0x90: {  	[sflag:s8] =	ssyncadd.s32 $0xFFFFEC00  }
0x91: {  	_ =	swait.ge [sflag:s8], $0x1400  }
0x92: {  	[sflag:s8] =	ssyncset.done $0x0  }
0x93: {  	[sflag:s8] =	ssyncadd.s32 $0xFFFFEC00  }
0x94: {  	[spmem:s3] =	stream.indirect.scatter.add.f32 [tilespmem:s25], [sflag:$0x3], $0x80, s22, s9, $0xb8;
	[tilespmem:$0x1E200] =	vst v63  }
0x95: {  	_ = 	snop  }
0x96: {  	[spmem:s3] =	stream.indirect.scatter.add.f32 [tilespmem:s26], [sflag:$0x3], $0x80, s21, s9, $0xb8;
	[tilespmem:$0x1E200] =	vst v63  }
0x97: {  	_ =	swait.ge [sflag:s23], $0x50  }
0x98: {  	[sflag:s23] =	ssyncset.done $0x0  }
0x99: {  	[sflag:s23] =	ssyncadd.s32 $0xFFFFFFB0  }
0x9a: {  	_ =	swait.ge [sflag:s23], $0x50  }
0x9b: {  	[sflag:s23] =	ssyncset.done $0x0  }
0x9c: {  	[sflag:s23] =	ssyncadd.s32 $0xFFFFFFB0  }
0x9d: {  	[tilespmem:s11], [sflag:$0x2] =	stream.indirect.gather [hbm4b:s1+s24], $0x80, s0, s24, $0xb8;
	[tilespmem:$0x1E200] =	vst v63  }
0x9e: {  	s14 =	simm.s32 $0x14128;
	s15 =	simm.s32 $0x1A600  }
0x9f: {  	[tilespmem:s12], [sflag:$0x2] =	stream.indirect.gather [hbm4b:s5+s24], $0x80, s2, s24, $0xb8;
	[tilespmem:$0x1E200] =	vst v63  }
0xa0: {  	s13 =	simm.s32 $0x17E00;
	s19 =	simm.s32 $0x14;
	s20 =	sadd.s32 $0xA0, s18  }
0xa1: {  	[tilespmem:s15], [sflag:$0x2] =	stream.indirect.gather [hbm4b:s1+s24], $0x80, s14, s24, $0xb8;
	[tilespmem:$0x1E200] =	vst v63  }
.LBB2_2:
0xa2: {  	s10 =	simm.s32 $0x141A8  }
0xa3: {  	[tilespmem:s16], [sflag:$0x2] =	stream.indirect.gather [hbm4b:s5+s24], $0x80, s10, s24, $0xb8;
	[tilespmem:$0x1E200] =	vst v63  }
0xa4: {  	_ =	swait.ge [sflag:s17], $0x2800  }
0xa5: {  	[sflag:s17] =	ssyncset.done $0x0  }
0xa6: {  	[sflag:s17] =	ssyncadd.s32 $0xFFFFD800  }
0xa7: {  	_ =	swait.ge [sflag:s17], $0x2800  }
0xa8: {  	s18 =	sshrl.u32 s20, $0x3;
	[sflag:s17] =	ssyncset.done $0x0  }
0xa9: {  	s28 =	sadd.s32 s6, s18;
	[sflag:s17] =	ssyncadd.s32 $0xFFFFD800  }
0xaa: {  	[tilespmem:s21], [sflag:$0x1] =	stream.linear.gather [hbm4b:s28+s4], $0x50, $0x38;
	[tilespmem:$0x1E200] =	vst v63  }
0xab: {  	s18 =	sadd.s32 s7, s18  }
0xac: {  	[tilespmem:s22], [sflag:$0x1] =	stream.linear.gather [hbm4b:s18+s4], $0x50, $0x38;
	[tilespmem:$0x1E200] =	vst v63  }
0xad: {  	_ =	swait.ge [sflag:s8], $0x1400  }
0xae: {  	[sflag:s8] =	ssyncset.done $0x0  }
0xaf: {  	[sflag:s8] =	ssyncadd.s32 $0xFFFFEC00  }
0xb0: {  	_ =	swait.ge [sflag:s8], $0x1400  }
0xb1: {  	[sflag:s8] =	ssyncset.done $0x0  }
0xb2: {  	[sflag:s8] =	ssyncadd.s32 $0xFFFFEC00  }
0xb3: {  	_ =	swait.ge [sflag:s8], $0x1400  }
0xb4: {  	[sflag:s8] =	ssyncset.done $0x0  }
0xb5: {  	[sflag:s8] =	ssyncadd.s32 $0xFFFFEC00  }
0xb6: {  	_ =	swait.ge [sflag:s8], $0x1400  }
0xb7: {  	[sflag:s8] =	ssyncset.done $0x0  }
0xb8: {  	[sflag:s8] =	ssyncadd.s32 $0xFFFFEC00  }
0xb9: {  	[spmem:s3] =	stream.indirect.scatter.add.f32 [tilespmem:s11], [sflag:$0x3], $0x80, s2, s9, $0xb8;
	[tilespmem:$0x1E200] =	vst v63  }
0xba: {  	_ = 	snop  }
0xbb: {  	[spmem:s3] =	stream.indirect.scatter.add.f32 [tilespmem:s12], [sflag:$0x3], $0x80, s0, s9, $0xb8;
	[tilespmem:$0x1E200] =	vst v63  }
0xbc: {  	_ =	swait.ge [sflag:s23], $0x50  }
0xbd: {  	[sflag:s23] =	ssyncset.done $0x0  }
0xbe: {  	[sflag:s23] =	ssyncadd.s32 $0xFFFFFFB0  }
0xbf: {  	_ =	swait.ge [sflag:s23], $0x50  }
0xc0: {  	[sflag:s23] =	ssyncset.done $0x0  }
0xc1: {  	[sflag:s23] =	ssyncadd.s32 $0xFFFFFFB0  }
0xc2: {  	[tilespmem:s25], [sflag:$0x2] =	stream.indirect.gather [hbm4b:s1+s24], $0x80, s21, s24, $0xb8;
	[tilespmem:$0x1E200] =	vst v63  }
0xc3: {  	_ = 	snop  }
0xc4: {  	[tilespmem:s26], [sflag:$0x2] =	stream.indirect.gather [hbm4b:s5+s24], $0x80, s22, s24, $0xb8;
	[tilespmem:$0x1E200] =	vst v63  }
0xc5: {  	_ = 	snop  }
0xc6: {  	[tilespmem:s30], [sflag:$0x2] =	stream.indirect.gather [hbm4b:s1+s24], $0x80, s29, s24, $0xb8;
	[tilespmem:$0x1E200] =	vst v63  }
0xc7: {  	_ = 	snop  }
0xc8: {  	[tilespmem:s13], [sflag:$0x2] =	stream.indirect.gather [hbm4b:s5+s24], $0x80, s31, s24, $0xb8;
	[tilespmem:$0x1E200] =	vst v63  }
0xc9: {  	_ =	swait.ge [sflag:s17], $0x2800  }
0xca: {  	[sflag:s17] =	ssyncset.done $0x0  }
0xcb: {  	[sflag:s17] =	ssyncadd.s32 $0xFFFFD800  }
0xcc: {  	_ =	swait.ge [sflag:s17], $0x2800  }
0xcd: {  	s10 =	smov.u32 s19;
	s18 =	rddreg [dreg:$0x5];
	[sflag:s17] =	ssyncset.done $0x0  }
0xce: {  	s28 =	rddreg [dreg:$0x4];
	[sflag:s17] =	ssyncadd.s32 $0xFFFFD800;
	s18 =	sadd.s32 s10, s18  }
0xcf: {  	[tilespmem:s0], [sflag:$0x1] =	stream.linear.gather [hbm4b:s18+s4], $0x50, $0x38;
	[tilespmem:$0x1E200] =	vst v63  }
0xd0: {  	s10 =	sadd.s32 s10, s28  }
0xd1: {  	[tilespmem:s2], [sflag:$0x1] =	stream.linear.gather [hbm4b:s10+s4], $0x50, $0x38;
	[tilespmem:$0x1E200] =	vst v63  }
0xd2: {  	_ =	swait.ge [sflag:s8], $0x1400  }
0xd3: {  	[sflag:s8] =	ssyncset.done $0x0  }
0xd4: {  	[sflag:s8] =	ssyncadd.s32 $0xFFFFEC00  }
0xd5: {  	_ =	swait.ge [sflag:s8], $0x1400  }
0xd6: {  	[sflag:s8] =	ssyncset.done $0x0  }
0xd7: {  	[sflag:s8] =	ssyncadd.s32 $0xFFFFEC00  }
0xd8: {  	_ =	swait.ge [sflag:s8], $0x1400  }
0xd9: {  	[sflag:s8] =	ssyncset.done $0x0  }
0xda: {  	[sflag:s8] =	ssyncadd.s32 $0xFFFFEC00  }
0xdb: {  	_ =	swait.ge [sflag:s8], $0x1400  }
0xdc: {  	[sflag:s8] =	ssyncset.done $0x0  }
0xdd: {  	[sflag:s8] =	ssyncadd.s32 $0xFFFFEC00  }
0xde: {  	[spmem:s3] =	stream.indirect.scatter.add.f32 [tilespmem:s25], [sflag:$0x3], $0x80, s22, s9, $0xb8;
	[tilespmem:$0x1E200] =	vst v63  }
0xdf: {  	_ = 	snop  }
0xe0: {  	[spmem:s3] =	stream.indirect.scatter.add.f32 [tilespmem:s26], [sflag:$0x3], $0x80, s21, s9, $0xb8;
	[tilespmem:$0x1E200] =	vst v63  }
0xe1: {  	_ =	swait.ge [sflag:s23], $0x50  }
0xe2: {  	[sflag:s23] =	ssyncset.done $0x0  }
0xe3: {  	[sflag:s23] =	ssyncadd.s32 $0xFFFFFFB0  }
0xe4: {  	_ =	swait.ge [sflag:s23], $0x50  }
0xe5: {  	[sflag:s23] =	ssyncset.done $0x0  }
0xe6: {  	p0 =	sne.s32 s19, $0x4B0;
	[sflag:s23] =	ssyncadd.s32 $0xFFFFFFB0  }
0xe7: {  	[tilespmem:s11], [sflag:$0x2] =	stream.indirect.gather [hbm4b:s1+s24], $0x80, s0, s24, $0xb8;
	[tilespmem:$0x1E200] =	vst v63  }
.Ltmp0:
0xe8: {  	_ = 	snop;
	(pc) =	sbr.rel @p0 .LBB2_2-.Ltmp0, $4  }
0xe9: {  	_ = 	snop  }
0xea: {  	[tilespmem:s12], [sflag:$0x2] =	stream.indirect.gather [hbm4b:s5+s24], $0x80, s2, s24, $0xb8;
	[tilespmem:$0x1E200] =	vst v63  }
0xeb: {  	s20 =	sadd.s32 $0xA0, s20;
	s19 =	sadd.s32 $0x14, s19  }
0xec: {  	[tilespmem:s15], [sflag:$0x2] =	stream.indirect.gather [hbm4b:s1+s24], $0x80, s14, s24, $0xb8;
	[tilespmem:$0x1E200] =	vst v63  }
0xed: {  	s10 =	simm.s32 $0x141A8  }
0xee: {  	[tilespmem:s16], [sflag:$0x2] =	stream.indirect.gather [hbm4b:s5+s24], $0x80, s10, s24, $0xb8;
	[tilespmem:$0x1E200] =	vst v63  }
0xef: {  	_ =	swait.ge [sflag:s17], $0x2800  }
0xf0: {  	[sflag:s17] =	ssyncset.done $0x0  }
0xf1: {  	[sflag:s17] =	ssyncadd.s32 $0xFFFFD800  }
0xf2: {  	_ =	swait.ge [sflag:s17], $0x2800  }
0xf3: {  	[sflag:s17] =	ssyncset.done $0x0  }
0xf4: {  	s28 =	rddreg [dreg:$0xd];
	[sflag:s17] =	ssyncadd.s32 $0xFFFFD800  }
0xf5: {  	[tilespmem:s21], [sflag:$0x1] =	stream.linear.gather [hbm4b:s28+s4], $0x50, $0x38;
	[tilespmem:$0x1E200] =	vst v63  }
0xf6: {  	s14 =	rddreg [dreg:$0xe]  }
0xf7: {  	[tilespmem:s22], [sflag:$0x1] =	stream.linear.gather [hbm4b:s14+s4], $0x50, $0x38;
	[tilespmem:$0x1E200] =	vst v63  }
0xf8: {  	_ =	swait.ge [sflag:s8], $0x1400  }
0xf9: {  	[sflag:s8] =	ssyncset.done $0x0  }
0xfa: {  	[sflag:s8] =	ssyncadd.s32 $0xFFFFEC00  }
0xfb: {  	_ =	swait.ge [sflag:s8], $0x1400  }
0xfc: {  	[sflag:s8] =	ssyncset.done $0x0  }
0xfd: {  	[sflag:s8] =	ssyncadd.s32 $0xFFFFEC00  }
0xfe: {  	_ =	swait.ge [sflag:s8], $0x1400  }
0xff: {  	[sflag:s8] =	ssyncset.done $0x0  }
0x100: {  	[sflag:s8] =	ssyncadd.s32 $0xFFFFEC00  }
0x101: {  	_ =	swait.ge [sflag:s8], $0x1400  }
0x102: {  	[sflag:s8] =	ssyncset.done $0x0  }
0x103: {  	[sflag:s8] =	ssyncadd.s32 $0xFFFFEC00  }
0x104: {  	[spmem:s3] =	stream.indirect.scatter.add.f32 [tilespmem:s11], [sflag:$0x3], $0x80, s2, s9, $0xb8;
	[tilespmem:$0x1E200] =	vst v63  }
0x105: {  	_ = 	snop  }
0x106: {  	[spmem:s3] =	stream.indirect.scatter.add.f32 [tilespmem:s12], [sflag:$0x3], $0x80, s0, s9, $0xb8;
	[tilespmem:$0x1E200] =	vst v63  }
0x107: {  	_ =	swait.ge [sflag:s23], $0x50  }
0x108: {  	[sflag:s23] =	ssyncset.done $0x0  }
0x109: {  	[sflag:s23] =	ssyncadd.s32 $0xFFFFFFB0  }
0x10a: {  	_ =	swait.ge [sflag:s23], $0x50  }
0x10b: {  	[sflag:s23] =	ssyncset.done $0x0  }
0x10c: {  	[sflag:s23] =	ssyncadd.s32 $0xFFFFFFB0  }
0x10d: {  	[tilespmem:s25], [sflag:$0x2] =	stream.indirect.gather [hbm4b:s1+s24], $0x80, s21, s24, $0xb8;
	[tilespmem:$0x1E200] =	vst v63  }
0x10e: {  	_ = 	snop  }
0x10f: {  	[tilespmem:s26], [sflag:$0x2] =	stream.indirect.gather [hbm4b:s5+s24], $0x80, s22, s24, $0xb8;
	[tilespmem:$0x1E200] =	vst v63  }
0x110: {  	_ = 	snop  }
0x111: {  	[tilespmem:s30], [sflag:$0x2] =	stream.indirect.gather [hbm4b:s1+s24], $0x80, s29, s24, $0xb8;
	[tilespmem:$0x1E200] =	vst v63  }
0x112: {  	_ = 	snop  }
0x113: {  	[tilespmem:s13], [sflag:$0x2] =	stream.indirect.gather [hbm4b:s5+s24], $0x80, s31, s24, $0xb8;
	[tilespmem:$0x1E200] =	vst v63  }
0x114: {  	_ =	swait.ge [sflag:s17], $0x2800  }
0x115: {  	[sflag:s17] =	ssyncset.done $0x0  }
0x116: {  	[sflag:s17] =	ssyncadd.s32 $0xFFFFD800  }
0x117: {  	_ =	swait.ge [sflag:s17], $0x2800  }
0x118: {  	[sflag:s17] =	ssyncset.done $0x0  }
0x119: {  	[sflag:s17] =	ssyncadd.s32 $0xFFFFD800  }
0x11a: {  	_ =	swait.ge [sflag:s8], $0x1400  }
0x11b: {  	[sflag:s8] =	ssyncset.done $0x0  }
0x11c: {  	[sflag:s8] =	ssyncadd.s32 $0xFFFFEC00  }
0x11d: {  	_ =	swait.ge [sflag:s8], $0x1400  }
0x11e: {  	[sflag:s8] =	ssyncset.done $0x0  }
0x11f: {  	[sflag:s8] =	ssyncadd.s32 $0xFFFFEC00  }
0x120: {  	_ =	swait.ge [sflag:s8], $0x1400  }
0x121: {  	[sflag:s8] =	ssyncset.done $0x0  }
0x122: {  	[sflag:s8] =	ssyncadd.s32 $0xFFFFEC00  }
0x123: {  	_ =	swait.ge [sflag:s8], $0x1400  }
0x124: {  	[sflag:s8] =	ssyncset.done $0x0  }
0x125: {  	[sflag:s8] =	ssyncadd.s32 $0xFFFFEC00  }
0x126: {  	[spmem:s3] =	stream.indirect.scatter.add.f32 [tilespmem:s25], [sflag:$0x3], $0x80, s22, s9, $0xb8;
	[tilespmem:$0x1E200] =	vst v63  }
0x127: {  	_ = 	snop  }
0x128: {  	[spmem:s3] =	stream.indirect.scatter.add.f32 [tilespmem:s26], [sflag:$0x3], $0x80, s21, s9, $0xb8;
	[tilespmem:$0x1E200] =	vst v63  }
0x129: {  	_ =	swait.ge [sflag:s17], $0x2800  }
0x12a: {  	[sflag:s17] =	ssyncset.done $0x0  }
0x12b: {  	[sflag:s17] =	ssyncadd.s32 $0xFFFFD800  }
0x12c: {  	_ =	swait.ge [sflag:s17], $0x2800  }
0x12d: {  	[sflag:s17] =	ssyncset.done $0x0  }
0x12e: {  	[sflag:s17] =	ssyncadd.s32 $0xFFFFD800  }
0x12f: {  	[bflag:$0x0] =	sbarrier.arrive $0xFFFF  }
0x130: {  	s18 =	rddreg [dreg:$0x8]  }
0x131: {  	s15 =	rddreg [dreg:$0xf]  }
0x132: {  	s19 =	rddreg [dreg:$0x13]  }
0x133: {  	[hbm:s15], [sflag:s18] =	dma.local [spmem:s19], $0x2800  }
0x134: {  	s19 =	simm.s32 $0x4  }
0x135: {  	_ =	swait.ge [sflag:s19], $0x2800  }
0x136: {  	s20 =	rddreg [dreg:$0x12]  }
0x137: {  	s28 =	rddreg [dreg:$0x10];
	s13 =	sadd.s32 $0x1, s20  }
0x138: {  	p0 =	sne.s32 s13, s28  }
.Ltmp1:
0x139: {  	_ = 	snop;
	(pc) =	sbr.rel @p0 .LBB2_1-.Ltmp1, $3  }
0x13a: {  	_ =	sdelay $0x1  }
0x13b: {  	[sflag:s19] =	ssyncset.done $0x0  }
0x13c: {  	s14 =	simm.s32 $0x14128;
	s15 =	simm.s32 $0x1A600;
	[sflag:s19] =	ssyncadd.s32 $0xFFFFD800  }
0x13d: {  	_ =	sfence.sel $0x180000  }
0x13e: {  	[bflag:$0x0] =	sbarrier.arrive $0xFFFF  }
0x13f: {  	_ =	strace $0x9000004A  }
0x140: {  	s0 =	stileid.u32;
	[bflag:$0x2] =	sbarrier.arrive $0xFFFF  }
0x141: {  	p0 =	sne.s32 s0, $0x0;
	s0 =	rddreg [dreg:$0x3]  }
0x142: {  	s0 =	sadd.s32 @!p0 $0x100000, s0  }
0x143: {  	[sflag:s0] =	ssyncadd.tile.s32 @!p0 $0x1;
	_ =	shalt  }
.Lfunc_end2:
_tile_overlayer_lowered:
.L_overlay_start_2:
0x144: {  	(tag) =	ssettag $0x2  }
0x145: {  	s0 =	rddreg [dreg:$0x0];
	s2 =	stileid.u32  }
0x146: {  	s1 =	rddreg [dreg:$0x1];
	p0 =	sne.s32 s2, $0x0  }
0x147: {  	s3 =	rddreg [dreg:$0x2];
	[bflag:$0x3] =	sbarrier.arrive $0xFFFF;
	s2 =	simm.s32 @!p0 $0x1C04  }
0x148: {  	[timem:s3], [sflag:s2] =	dma.local @!p0 [hbm:s0], s1  }
0x149: {  	s0 =	simm.s32 @!p0 $0x4  }
0x14a: {  	_ =	swait.ge @!p0 [sflag:s0], s1  }
0x14b: {  	s1 =	ssub.s32 @!p0 $0x0, s1;
	[sflag:s0] =	ssyncset.done @!p0 $0x0  }
0x14c: {  	[sflag:s0] =	ssyncadd.s32 @!p0 s1  }
0x14d: {  	[bflag:$0x3] =	sbarrier.arrive $0xFFFF  }
0x14e: {  	_ =	shalt  }

// kernel: _run.7.cloned.1.call-start
scs
__scs_entry_jumppad:
0x0: {  	(pc) =	sbr.rel $0x88, $3  }
0x1: {  	(tag) =	ssettag $0x0;
	lr =	simm.s32 $0x1  }
0x2: {  	[smem:$0x3F98] =	sst lr;
	_ =	strace $0xD0000000  }
0x3: {  	_ = 	snop  }
0x4: {  	_ = 	snop  }
0x5: {  	_ = 	snop  }
0x6: {  	_ = 	snop  }
0x7: {  	_ = 	snop  }
__scs_overlays_trampoline_lowered:
0x8: {  	[smem:$0x3FA7] =	sst s0  }
0x9: {  	[smem:$0x3FA8] =	sst s1  }
0xa: {  	[smem:$0x3FA9] =	sst s2  }
0xb: {  	[smem:$0x3FAA] =	sst s3  }
0xc: {  	[smem:$0x3FAB] =	sst s4  }
0xd: {  	[smem:$0x3FAC] =	sst s5  }
0xe: {  	[smem:$0x3FAD] =	sst s6  }
0xf: {  	[smem:$0x3FAE] =	sst s7  }
0x10: {  	[smem:$0x3FAF] =	sst s8  }
0x11: {  	[smem:$0x3FB0] =	sst s9;
	s0 =	simm.s32 @!p0 $0x0  }
0x12: {  	s1 =	sld [smem:$0x3F96];
	s0 =	simm.s32 @p0 $0x1  }
0x13: {  	[smem:$0x3FB1] =	sst s0;
	s0 =	simm.s32 @!p1 $0x0  }
0x14: {  	s2 =	sld [smem:$0x3F95];
	s0 =	simm.s32 @p1 $0x1  }
0x15: {  	[smem:$0x3FB2] =	sst s0;
	s0 =	simm.s32 @!p2 $0x0  }
0x16: {  	s3 =	sld [smem:$0x3FDB];
	s0 =	simm.s32 @p2 $0x1  }
0x17: {  	s4 =	simm.s32 $0x1BF5;
	[smem:$0x3FB4] =	sst s0  }
0x18: {  	s0 =	sld [smem:$0x3F97];
	_ =	swait.ge [sflag:s4], $0x0  }
0x19: {  	s7 =	sld [smem:$0x3F98]  }
0x1a: {  	s8 =	sadd.s32 $0xFFFFE003, lr  }
0x1b: {  	s9 =	sadd.s32 $0xFFFFFEF7, lr;
	s5 =	simm.s32 $0xFFFFFFFF;
	p2 =	slt.u32 s8, $0xFFFFF086  }
0x1c: {  	p1 =	slt.u32 s9, $0xF7A;
	s5 =	simm.s32 @!p2 $0x0  }
0x1d: {  	s5 =	simm.s32 @p1 $0x1;
	p0 =	seq.s32 s7, s2  }
0x1e: {  	s7 =	smul.u32 @!p0 $0xF7A, s2;
	p2 =	seq.s32 @!p0 s5, $0x0  }
0x1f: {  	s9 =	smul.u32 $0xF7A, s1;
	s8 =	simm.s32 @!p0 $0x1BF5;
	p2 =	por !p2, p0  }
0x20: {  	[sflag:s8] =	ssyncset.s32 @!p0 $0xFFFFF086;
	s6 =	sadd.s32 @!p0 s3, s7;
	s7 =	simm.s32 @!p0 $0x108  }
0x21: {  	s3 =	sadd.s32 s3, s9;
	s6 =	sadd.s32 @!p0 $0x88, s6;
	s7 =	simm.s32 @p2 $0x1082  }
0x22: {  	[simem:s7], [sflag:s8] =	dma.local @!p0 [hbm:s6], $0xF7A  }
0x23: {  	s9 =	sor.u32 $0xD0000000, s2;
	s6 =	simm.s32 $0x108;
	_ =	swait.ge @!p0 [sflag:s8], $0x0  }
0x24: {  	s3 =	sadd.s32 $0x88, s3;
	s6 =	simm.s32 @!p1 $0x1082;
	[sflag:s4] =	ssyncset.s32 $0xFFFFF086  }
0x25: {  	[simem:s6], [sflag:s4] =	dma.local [hbm:s3], $0xF7A  }
0x26: {  	[smem:$0x3F98] =	sst s1;
	(tag) =	ssettag s2;
	_ =	strace s9  }
0x27: {  	s1 =	sld [smem:$0x3FA8]  }
0x28: {  	s2 =	sld [smem:$0x3FA9]  }
0x29: {  	s4 =	sld [smem:$0x3FAB]  }
0x2a: {  	p0 =	seq.s32 s5, $0x0;
	s5 =	sld [smem:$0x3FAC]  }
0x2b: {  	s6 =	sld [smem:$0x3FAD]  }
0x2c: {  	s7 =	sld [smem:$0x3FAE]  }
0x2d: {  	s3 =	simm.s32 $0x108;
	s8 =	sld [smem:$0x3FAF]  }
0x2e: {  	s3 =	simm.s32 @!p0 $0x1082;
	s9 =	sld [smem:$0x3FB0]  }
0x2f: {  	lr =	sadd.s32 s0, s3;
	s0 =	sld [smem:$0x3FA7]  }
0x30: {  	s3 =	sld [smem:$0x3FAA]  }
0x31: {  	[smem:$0x3FB3] =	sst s10  }
0x32: {  	s10 =	sld [smem:$0x3FB1];
	_ =	sdelay $0x3  }
0x33: {  	p0 =	seq.s32 s10, $0x1;
	s10 =	sld [smem:$0x3FB3];
	_ =	sdelay $0x3  }
0x34: {  	[smem:$0x3FB3] =	sst s10  }
0x35: {  	s10 =	sld [smem:$0x3FB2];
	_ =	sdelay $0x3  }
0x36: {  	p1 =	seq.s32 s10, $0x1;
	s10 =	sld [smem:$0x3FB3];
	_ =	sdelay $0x3  }
0x37: {  	[smem:$0x3FB3] =	sst s10  }
0x38: {  	s10 =	sld [smem:$0x3FB4]  }
0x39: {  	_ = 	snop;
	(pc) =	sbr.ind lr, $3  }
0x3a: {  	_ = 	snop  }
0x3b: {  	_ = 	snop  }
0x3c: {  	p2 =	seq.s32 s10, $0x1;
	s10 =	sld [smem:$0x3FB3]  }
0x3d: {  	_ =	shalt  }
0x3e: {  	_ =	shalt  }
0x3f: {  	_ =	shalt  }
0x40: {  	_ =	shalt  }
0x41: {  	_ =	shalt  }
0x42: {  	_ =	shalt  }
0x43: {  	_ =	shalt  }
0x44: {  	_ =	shalt  }
0x45: {  	_ =	shalt  }
0x46: {  	_ =	shalt  }
0x47: {  	_ =	shalt  }
0x48: {  	_ =	shalt  }
0x49: {  	_ =	shalt  }
0x4a: {  	_ =	shalt  }
0x4b: {  	_ =	shalt  }
0x4c: {  	_ =	shalt  }
0x4d: {  	_ =	shalt  }
0x4e: {  	_ =	shalt  }
0x4f: {  	_ =	shalt  }
0x50: {  	_ =	shalt  }
0x51: {  	_ =	shalt  }
0x52: {  	_ =	shalt  }
0x53: {  	_ =	shalt  }
0x54: {  	_ =	shalt  }
0x55: {  	_ =	shalt  }
0x56: {  	_ =	shalt  }
0x57: {  	_ =	shalt  }
0x58: {  	_ =	shalt  }
0x59: {  	_ =	shalt  }
0x5a: {  	_ =	shalt  }
0x5b: {  	_ =	shalt  }
0x5c: {  	_ =	shalt  }
0x5d: {  	_ =	shalt  }
0x5e: {  	_ =	shalt  }
0x5f: {  	_ =	shalt  }
0x60: {  	_ =	shalt  }
0x61: {  	_ =	shalt  }
0x62: {  	_ =	shalt  }
0x63: {  	_ =	shalt  }
0x64: {  	_ =	shalt  }
0x65: {  	_ =	shalt  }
0x66: {  	_ =	shalt  }
0x67: {  	_ =	shalt  }
0x68: {  	_ =	shalt  }
0x69: {  	_ =	shalt  }
0x6a: {  	_ =	shalt  }
0x6b: {  	_ =	shalt  }
0x6c: {  	_ =	shalt  }
0x6d: {  	_ =	shalt  }
0x6e: {  	_ =	shalt  }
0x6f: {  	_ =	shalt  }
0x70: {  	_ =	shalt  }
0x71: {  	_ =	shalt  }
0x72: {  	_ =	shalt  }
0x73: {  	_ =	shalt  }
0x74: {  	_ =	shalt  }
0x75: {  	_ =	shalt  }
0x76: {  	_ =	shalt  }
0x77: {  	_ =	shalt  }
0x78: {  	_ =	shalt  }
0x79: {  	_ =	shalt  }
0x7a: {  	_ =	shalt  }
0x7b: {  	_ =	shalt  }
0x7c: {  	_ =	shalt  }
0x7d: {  	_ =	shalt  }
0x7e: {  	_ =	shalt  }
0x7f: {  	_ =	shalt  }
0x80: {  	_ =	shalt  }
0x81: {  	_ =	shalt  }
0x82: {  	_ =	shalt  }
0x83: {  	_ =	shalt  }
0x84: {  	_ =	shalt  }
0x85: {  	_ =	shalt  }
0x86: {  	_ =	shalt  }
0x87: {  	_ =	shalt  }
.Lfunc_end0:
.L_simem_size_0:
called_computation_lowered:
.L_overlay_start_0:
0x88: {  	s2 =	sld [smem:$0x3FD9]  }
0x89: {  	s3 =	sld [smem:$0x3FFE];
	_ =	sdelay $0x1  }
0x8a: {  	s1 =	srdreg.scid  }
0x8b: {  	s0 =	sand.u32 $0x1, s1  }
0x8c: {  	s17 =	sshll.u32 s0, $0xA;
	s2 =	sadd.s32 s3, s2  }
0x8d: {  	s2 =	sadd.s32 s2, s17  }
0x8e: {  	[smem:$0x3FBF] =	sst s2  }
0x8f: {  	_ = 	snop  }
0x90: {  	s2 =	sld [smem:$0x3FC8];
	(tm) =	ssettm $0x1  }
0x91: {  	s18 =	sld [smem:$0x3FFB];
	_ =	sdelay $0x3  }
0x92: {  	_ =	strace s18  }
0x93: {  	s3 =	sld [smem:$0x3FFC];
	_ =	sdelay $0x3  }
0x94: {  	_ =	strace s3  }
0x95: {  	s3 =	sld [smem:$0x3FFD];
	_ =	sdelay $0x3  }
0x96: {  	_ =	strace s3  }
0x97: {  	_ =	strace $0x8FFFFFFF  }
0x98: {  	s19 =	sld [smem:$0x3FDB];
	_ =	sdelay $0x1  }
0x99: {  	s4 =	simm.s32 $_scs_section_size  }
0x9a: {  	s5 =	simm.s32 $_size__tile_overlayer_lowered;
	s6 =	simm.s32 $_tile_overlayer_lowered  }
0x9b: {  	s22 =	simm.s32 $0x1BFF;
	s21 =	sshll.u32 s6, $0x1;
	s3 =	sadd.s32 s4, s19  }
0x9c: {  	s7 =	simm.s32 $0x0;
	s20 =	sshll.u32 s5, $0x1;
	s5 =	sadd.s32 s21, s3  }
0x9d: {  	[timem:s7], [sflag:s22] =	dma.local [hbm:s5], s20  }
0x9e: {  	_ =	swait.ge [sflag:s22], s20  }
0x9f: {  	s4 =	ssub.s32 $0x0, s20;
	[sflag:s22] =	ssyncset.done $0x0  }
0xa0: {  	[sflag:s22] =	ssyncadd.s32 s4;
	_ =	sdelay $0x1  }
0xa1: {  	s23 =	simm.s32 $0x1B8B  }
0xa2: {  	_ =	swait.ge [sflag:s23], $0x1  }
0xa3: {  	[sflag:s23] =	ssyncset.done $0x0  }
0xa4: {  	s25 =	simm.s32 $0x1B8E;
	s24 =	sld [smem:$0x3FFE];
	[sflag:s23] =	ssyncadd.s32 $0xFFFFFFFF  }
0xa5: {  	s26 =	simm.s32 $execute0_lowered;
	[smem:$0x3FD2] =	sst s25  }
0xa6: {  	s5 =	sshll.u32 s26, $0x1;
	_ =	strace $0x80000046;
	[dreg:$0x1] =	wrdreg $0xFFFFFFFF  }
0xa7: {  	s28 =	simm.s32 $_size_execute0_lowered;
	s3 =	sadd.s32 s3, s5;
	[dreg:$0x0] =	wrdreg $0x0  }
0xa8: {  	s5 =	sshll.u32 s28, $0x1;
	[dreg:$0x2] =	wrdreg s3  }
0xa9: {  	[dreg:$0x3] =	wrdreg s5  }
0xaa: {  	[dreg:$0x4] =	wrdreg $0xC0  }
0xab: {  	_ =	task [dreg:s7], $0x5FFFF  }
0xac: {  	[dreg:$0x1] =	wrdreg $0xFFFFFFFF  }
0xad: {  	[dreg:$0x0] =	wrdreg $0x60  }
0xae: {  	[dreg:$0x2] =	wrdreg s2  }
0xaf: {  	[dreg:$0x3] =	wrdreg s24  }
0xb0: {  	[dreg:$0x4] =	wrdreg $0x0  }
0xb1: {  	[dreg:$0x5] =	wrdreg $0x140000  }
0xb2: {  	[dreg:$0x6] =	wrdreg $0x9  }
0xb3: {  	_ =	task.clear_ibuf [dreg:s7], $0x7FFFF;
	_ =	strace $0x90000046  }
0xb4: {  	s29 =	simm.s32 $0x9;
	_ =	strace $0x80000048  }
0xb5: {  	_ =	swait.ge [sflag:s29], $0x1  }
0xb6: {  	[sflag:s29] =	ssyncadd.s32 $0xFFFFFFFF  }
0xb7: {  	_ =	strace $0x90000048  }
0xb8: {  	_ =	sfence  }
0xb9: {  	s30 =	sld [smem:$0x0];
	_ =	sdelay $0x2  }
0xba: {  	s31 =	sshll.u32 s1, $0xD;
	s1 =	sshrl.u32 s1, $0x2  }
0xbb: {  	s3 =	sand.u32 $0x4000, s31;
	s1 =	sadd.s32 s1, s30  }
0xbc: {  	s0 =	sor.u32 s3, s0;
	s1 =	sshll.u32 s1, $0x11  }
0xbd: {  	s0 =	sor.u32 s1, s0  }
0xbe: {  	s0 =	sadd.s32 $0x8F2B, s0  }
0xbf: {  	[sflag:s0] =	ssyncadd.remote.s32 $0x1  }
0xc0: {  	_ =	sfence.sel $0xFFFF  }
0xc1: {  	[dreg:$0x0] =	wrdreg $0xFFFFFFFF;
	(pc) =	sbr.abs _section_cstart, $3  }
0xc2: {  	[dreg:$0x1] =	wrdreg $0xFFFFFFFF  }
0xc3: {  	_ =	task.clear_ibuf [dreg:s7], $0x2FFFF;
	_ =	strace $0x9FFFFFFF  }
0xc4: {  	(tm) =	ssettm $0x7FFFFFFF  }
0xc5: {  	_ =	shalt  }
tec
execute0_lowered:
.L_overlay_start_1:
0x0: {  	(tag) =	ssettag $0x1  }
0x1: {  	s0 =	rddreg [dreg:$0x0]  }
0x2: {  	s2 =	rddreg [dreg:$0x1]  }
0x3: {  	s1 =	rddreg [dreg:$0x2];
	s14 =	stileid.u32  }
0x4: {  	s3 =	rddreg [dreg:$0x3];
	s6 =	smul.u32 $0x14000, s14  }
0x5: {  	s4 =	simm.s32 $0x0;
	s5 =	srdreg.scid;
	s7 =	smul.u32 $0x280, s14  }
0x6: {  	s28 =	simm.s32 $0x14300;
	s29 =	simm.s32 $0x2;
	s12 =	smul.u32 $0x500, s14  }
0x7: {  	s30 =	simm.s32 $0x50;
	s31 =	simm.s32 $0x16B80;
	s16 =	smul.u32 $0x50000, s14  }
0x8: {  	[smem:$0x7FF] =	sst s4;
	s8 =	sand.u32 $0x1, s5;
	s19 =	smul.u32 $0x4E20, s14  }
0x9: {  	s5 =	sadd.s32 $0x16400, s2;
	s13 =	sadd.s32 $0x52400, s2;
	s25 =	smul.u32 $0x4E200, s14  }
0xa: {  	s20 =	sshll.u32 s14, $0x6;
	_ =	strace $0x80000047;
	s10 =	smul.u32 $0x140000, s8  }
0xb: {  	s26 =	sshll.u32 s8, $0x7;
	[dreg:$0x5] =	wrdreg s13;
	s15 =	ssub.s32 $0x2, s8  }
0xc: {  	s8 =	smul.u32 $0x4E200, s8;
	s9 =	sshrl.u32 s6, $0x3;
	s11 =	sshrl.u32 s7, $0x3  }
0xd: {  	s17 =	sshrl.u32 s15, $0x1;
	s18 =	sshrl.u32 s16, $0x2;
	s7 =	sadd.s32 s7, s3  }
0xe: {  	s23 =	sadd.s32 $0x50, s19;
	s13 =	sadd.s32 s0, s25;
	s25 =	simm.s32 $0x1  }
0xf: {  	s9 =	sadd.s32 s9, s2;
	s11 =	sadd.s32 s11, s2;
	s6 =	sadd.s32 s6, s10  }
0x10: {  	s10 =	sor.u32 s26, s12;
	s12 =	sadd.s32 s18, s1;
	[dreg:$0x8] =	wrdreg s7  }
0x11: {  	s22 =	sadd.s32 s19, s8;
	s8 =	sadd.s32 s8, s23;
	s6 =	sshrl.u32 s6, $0x3  }
0x12: {  	s10 =	sshrl.u32 s10, $0x3;
	[dreg:$0x6] =	wrdreg s12;
	s9 =	sadd.s32 $0x29E00, s9  }
0x13: {  	s21 =	sadd.s32 $0x51E00, s11;
	s24 =	sshrl.u32 s22, $0x3;
	s8 =	sshrl.u32 s8, $0x3  }
0x14: {  	s11 =	sshll.u32 s23, $0x4;
	s26 =	sadd.s32 $0xF0, s22;
	s23 =	simm.s32 $0x19380  }
0x15: {  	s6 =	sadd.s32 s6, s2;
	s2 =	sadd.s32 s10, s2;
	[dreg:$0x7] =	wrdreg s9  }
0x16: {  	s10 =	ssub.s32 s15, s17;
	[dreg:$0x9] =	wrdreg s21;
	s12 =	sadd.s32 s5, s24  }
0x17: {  	s9 =	sor.u32 $0x1C04, s20;
	s8 =	sadd.s32 s5, s8;
	[dreg:$0xa] =	wrdreg s12  }
0x18: {  	s0 =	sadd.s32 s0, s11;
	s21 =	sadd.s32 $0xA0, s22;
	[dreg:$0xb] =	wrdreg s8  }
0x19: {  	s22 =	simm.s32 $0x4;
	s24 =	simm.s32 $0x14280;
	[dreg:$0xc] =	wrdreg s0  }
0x1a: {  	s16 =	sadd.s32 $0x53000, s6;
	s17 =	sadd.s32 $0x52600, s2;
	s18 =	smax.u32 s10, $0x1  }
0x1b: {  	s12 =	sadd.s32 $0xF00, s13;
	s0 =	sshrl.u32 s26, $0x3;
	s26 =	simm.s32 $0x14380  }
0x1c: {  	s2 =	simm.s32 $0x0;
	s20 =	sadd.s32 s0, s5;
	s0 =	simm.s32 $0x3  }
.LBB2_1:
0x1d: {  	s6 =	rddreg [dreg:$0x6]  }
0x1e: {  	s7 =	rddreg [dreg:$0x7];
	s6 =	sshrl.u32 s6, $0x3  }
0x1f: {  	[spmem:s6], [sflag:s9] =	dma.local [hbm:s7], $0x2800  }
0x20: {  	_ =	swait.ge [sflag:s22], $0x2800  }
0x21: {  	[sflag:s22] =	ssyncset.done $0x0;
	s14 =	rddreg [dreg:$0x8]  }
0x22: {  	s8 =	rddreg [dreg:$0x9];
	[sflag:s22] =	ssyncadd.s32 $0xFFFFD800;
	s7 =	sshrl.u32 s14, $0x3  }
0x23: {  	[spmem:s7], [sflag:s9] =	dma.local [hbm:s8], $0x50  }
0x24: {  	_ =	swait.ge [sflag:s22], $0x50  }
0x25: {  	[sflag:s22] =	ssyncset.done $0x0  }
0x26: {  	s15 =	rddreg [dreg:$0x5];
	[sflag:s22] =	ssyncadd.s32 $0xFFFFFFB0  }
0x27: {  	[tilespmem:s23], [sflag:$0x4] =	stream.linear.gather [hbm4b:s15+s4], $0x80, $0x38;
	[tilespmem:$0x19400] =	vst v63  }
0x28: {  	_ =	swait.ge [sflag:s22], $0x80  }
0x29: {  	[sflag:s22] =	ssyncset.done $0x0  }
0x2a: {  	[sflag:s22] =	ssyncadd.s32 $0xFFFFFF80  }
0x2b: {  	[bflag:$0x0] =	sbarrier.arrive $0xFFFF  }
0x2c: {  	s19 =	rddreg [dreg:$0xa]  }
0x2d: {  	[tilespmem:s24], [sflag:$0x1] =	stream.linear.gather [hbm4b:s19+s4], $0x50, $0x38;
	[tilespmem:$0x19400] =	vst v63  }
0x2e: {  	_ =	swait.ge [sflag:s25], $0x50  }
0x2f: {  	[sflag:s25] =	ssyncset.done $0x0  }
0x30: {  	[sflag:s25] =	ssyncadd.s32 $0xFFFFFFB0  }
0x31: {  	[tilespmem:s26], [sflag:$0x2] =	stream.linear.gather [hbm4b:s13+s4], $0x2800, $0x38;
	[tilespmem:$0x19400] =	vst v63  }
0x32: {  	s10 =	rddreg [dreg:$0xb]  }
0x33: {  	[tilespmem:s28], [sflag:$0x1] =	stream.linear.gather [hbm4b:s10+s4], $0x50, $0x38;
	[tilespmem:$0x19400] =	vst v63  }
0x34: {  	_ =	swait.ge [sflag:s29], $0x2800  }
0x35: {  	[sflag:s29] =	ssyncset.done $0x0  }
0x36: {  	[sflag:s29] =	ssyncadd.s32 $0xFFFFD800  }
0x37: {  	[spmem:s1] =	stream.indirect.scatter.add.f32 [tilespmem:s26], [sflag:$0x3], $0x80, s24, s30, $0xb8;
	[tilespmem:$0x19400] =	vst v63  }
0x38: {  	_ = 	snop  }
0x39: {  	[spmem:s3] =	stream.indirect.scatter.add.f32 [tilespmem:s23], [sflag:$0x3], $0x1, s24, s30, $0xb8;
	[tilespmem:$0x19400] =	vst v63  }
0x3a: {  	_ =	swait.ge [sflag:s25], $0x50  }
0x3b: {  	[sflag:s25] =	ssyncset.done $0x0  }
0x3c: {  	s11 =	rddreg [dreg:$0xc];
	[sflag:s25] =	ssyncadd.s32 $0xFFFFFFB0  }
0x3d: {  	[tilespmem:s31], [sflag:$0x2] =	stream.linear.gather [hbm4b:s11+s4], $0x2800, $0x38;
	[tilespmem:$0x19400] =	vst v63  }
0x3e: {  	_ =	swait.ge [sflag:s0], $0x2800  }
0x3f: {  	[sflag:s0] =	ssyncset.done $0x0  }
0x40: {  	[sflag:s0] =	ssyncadd.s32 $0xFFFFD800  }
0x41: {  	_ =	swait.ge [sflag:s0], $0x50  }
0x42: {  	s14 =	sshrl.u32 s21, $0x3;
	[sflag:s0] =	ssyncset.done $0x0  }
0x43: {  	s8 =	sadd.s32 s5, s14;
	[sflag:s0] =	ssyncadd.s32 $0xFFFFFFB0  }
0x44: {  	[tilespmem:s24], [sflag:$0x1] =	stream.linear.gather [hbm4b:s8+s4], $0x50, $0x38;
	[tilespmem:$0x19400] =	vst v63  }
0x45: {  	_ =	swait.ge [sflag:s29], $0x2800  }
0x46: {  	[sflag:s29] =	ssyncset.done $0x0  }
0x47: {  	[sflag:s29] =	ssyncadd.s32 $0xFFFFD800  }
0x48: {  	[spmem:s1] =	stream.indirect.scatter.add.f32 [tilespmem:s31], [sflag:$0x3], $0x80, s28, s30, $0xb8;
	[tilespmem:$0x19400] =	vst v63  }
0x49: {  	_ = 	snop  }
0x4a: {  	[spmem:s3] =	stream.indirect.scatter.add.f32 [tilespmem:s23], [sflag:$0x3], $0x1, s28, s30, $0xb8;
	[tilespmem:$0x19400] =	vst v63  }
0x4b: {  	_ =	swait.ge [sflag:s25], $0x50  }
0x4c: {  	[sflag:s25] =	ssyncset.done $0x0  }
0x4d: {  	s15 =	sadd.s32 $0xFFFFFB00, s12;
	[sflag:s25] =	ssyncadd.s32 $0xFFFFFFB0  }
0x4e: {  	[tilespmem:s26], [sflag:$0x2] =	stream.linear.gather [hbm4b:s15+s4], $0x2800, $0x38;
	[tilespmem:$0x19400] =	vst v63  }
0x4f: {  	_ =	swait.ge [sflag:s0], $0x2800  }
0x50: {  	[sflag:s0] =	ssyncset.done $0x0  }
0x51: {  	[sflag:s0] =	ssyncadd.s32 $0xFFFFD800  }
0x52: {  	_ =	swait.ge [sflag:s0], $0x50  }
0x53: {  	[sflag:s0] =	ssyncset.done $0x0  }
0x54: {  	s19 =	sadd.s32 $0x0, s20;
	[sflag:s0] =	ssyncadd.s32 $0xFFFFFFB0  }
0x55: {  	[tilespmem:s28], [sflag:$0x1] =	stream.linear.gather [hbm4b:s19+s4], $0x50, $0x38;
	[tilespmem:$0x19400] =	vst v63  }
0x56: {  	_ =	swait.ge [sflag:s29], $0x2800  }
0x57: {  	[sflag:s29] =	ssyncset.done $0x0  }
0x58: {  	[sflag:s29] =	ssyncadd.s32 $0xFFFFD800  }
0x59: {  	[spmem:s1] =	stream.indirect.scatter.add.f32 [tilespmem:s26], [sflag:$0x3], $0x80, s24, s30, $0xb8;
	[tilespmem:$0x19400] =	vst v63  }
0x5a: {  	_ = 	snop  }
0x5b: {  	[spmem:s3] =	stream.indirect.scatter.add.f32 [tilespmem:s23], [sflag:$0x3], $0x1, s24, s30, $0xb8;
	[tilespmem:$0x19400] =	vst v63  }
0x5c: {  	_ =	swait.ge [sflag:s25], $0x50  }
0x5d: {  	s10 =	sadd.s32 $0xA00, s12;
	s11 =	sadd.s32 $0xA0, s21;
	[sflag:s25] =	ssyncset.done $0x0  }
0x5e: {  	s8 =	simm.s32 $0x14;
	s19 =	smov.u32 s12;
	[sflag:s25] =	ssyncadd.s32 $0xFFFFFFB0  }
.LBB2_2:
0x5f: {  	[tilespmem:s31], [sflag:$0x2] =	stream.linear.gather [hbm4b:s19+s4], $0x2800, $0x38;
	[tilespmem:$0x19400] =	vst v63  }
0x60: {  	s14 =	smov.u32 s8;
	s19 =	smov.u32 s10  }
0x61: {  	p0 =	sne.s32 s8, $0x99C;
	s8 =	sadd.s32 $0x14, s8;
	_ =	swait.ge [sflag:s0], $0x2800  }
0x62: {  	[sflag:s0] =	ssyncset.done $0x0  }
0x63: {  	[sflag:s0] =	ssyncadd.s32 $0xFFFFD800  }
0x64: {  	_ =	swait.ge [sflag:s0], $0x50  }
0x65: {  	s15 =	sshrl.u32 s11, $0x3;
	[sflag:s0] =	ssyncset.done $0x0  }
0x66: {  	s15 =	sadd.s32 s5, s15;
	[sflag:s0] =	ssyncadd.s32 $0xFFFFFFB0  }
0x67: {  	[tilespmem:s24], [sflag:$0x1] =	stream.linear.gather [hbm4b:s15+s4], $0x50, $0x38;
	[tilespmem:$0x19400] =	vst v63  }
0x68: {  	_ =	swait.ge [sflag:s29], $0x2800  }
0x69: {  	[sflag:s29] =	ssyncset.done $0x0  }
0x6a: {  	[sflag:s29] =	ssyncadd.s32 $0xFFFFD800  }
0x6b: {  	[spmem:s1] =	stream.indirect.scatter.add.f32 [tilespmem:s31], [sflag:$0x3], $0x80, s28, s30, $0xb8;
	[tilespmem:$0x19400] =	vst v63  }
0x6c: {  	_ = 	snop  }
0x6d: {  	[spmem:s3] =	stream.indirect.scatter.add.f32 [tilespmem:s23], [sflag:$0x3], $0x1, s28, s30, $0xb8;
	[tilespmem:$0x19400] =	vst v63  }
0x6e: {  	_ =	swait.ge [sflag:s25], $0x50  }
0x6f: {  	[sflag:s25] =	ssyncset.done $0x0  }
0x70: {  	s15 =	sadd.s32 $0xFFFFFB00, s10;
	[sflag:s25] =	ssyncadd.s32 $0xFFFFFFB0  }
0x71: {  	[tilespmem:s26], [sflag:$0x2] =	stream.linear.gather [hbm4b:s15+s4], $0x2800, $0x38;
	[tilespmem:$0x19400] =	vst v63  }
0x72: {  	_ =	swait.ge [sflag:s0], $0x2800  }
0x73: {  	[sflag:s0] =	ssyncset.done $0x0  }
0x74: {  	[sflag:s0] =	ssyncadd.s32 $0xFFFFD800  }
0x75: {  	_ =	swait.ge [sflag:s0], $0x50  }
0x76: {  	[sflag:s0] =	ssyncset.done $0x0  }
0x77: {  	s14 =	sadd.s32 s14, s20;
	[sflag:s0] =	ssyncadd.s32 $0xFFFFFFB0  }
0x78: {  	[tilespmem:s28], [sflag:$0x1] =	stream.linear.gather [hbm4b:s14+s4], $0x50, $0x38;
	[tilespmem:$0x19400] =	vst v63  }
0x79: {  	_ =	swait.ge [sflag:s29], $0x2800  }
0x7a: {  	[sflag:s29] =	ssyncset.done $0x0  }
0x7b: {  	[sflag:s29] =	ssyncadd.s32 $0xFFFFD800  }
0x7c: {  	[spmem:s1] =	stream.indirect.scatter.add.f32 [tilespmem:s26], [sflag:$0x3], $0x80, s24, s30, $0xb8;
	[tilespmem:$0x19400] =	vst v63  }
.Ltmp0:
0x7d: {  	(pc) =	sbr.rel @p0 .LBB2_2-.Ltmp0, $4  }
0x7e: {  	[spmem:s3] =	stream.indirect.scatter.add.f32 [tilespmem:s23], [sflag:$0x3], $0x1, s24, s30, $0xb8;
	[tilespmem:$0x19400] =	vst v63  }
0x7f: {  	_ =	swait.ge [sflag:s25], $0x50  }
0x80: {  	[sflag:s25] =	ssyncset.done $0x0  }
0x81: {  	s11 =	sadd.s32 $0xA0, s11;
	s10 =	sadd.s32 $0xA00, s10;
	[sflag:s25] =	ssyncadd.s32 $0xFFFFFFB0  }
0x82: {  	[tilespmem:s31], [sflag:$0x2] =	stream.linear.gather [hbm4b:s19+s4], $0x2800, $0x38;
	[tilespmem:$0x19400] =	vst v63  }
0x83: {  	_ =	swait.ge [sflag:s0], $0x2800  }
0x84: {  	[sflag:s0] =	ssyncset.done $0x0  }
0x85: {  	[sflag:s0] =	ssyncadd.s32 $0xFFFFD800  }
0x86: {  	_ =	swait.ge [sflag:s0], $0x50  }
0x87: {  	[sflag:s0] =	ssyncset.done $0x0  }
0x88: {  	[sflag:s0] =	ssyncadd.s32 $0xFFFFFFB0  }
0x89: {  	_ =	swait.ge [sflag:s29], $0x2800  }
0x8a: {  	[sflag:s29] =	ssyncset.done $0x0  }
0x8b: {  	[sflag:s29] =	ssyncadd.s32 $0xFFFFD800  }
0x8c: {  	[spmem:s1] =	stream.indirect.scatter.add.f32 [tilespmem:s31], [sflag:$0x3], $0x80, s28, s30, $0xb8;
	[tilespmem:$0x19400] =	vst v63  }
0x8d: {  	_ = 	snop  }
0x8e: {  	[spmem:s3] =	stream.indirect.scatter.add.f32 [tilespmem:s23], [sflag:$0x3], $0x1, s28, s30, $0xb8;
	[tilespmem:$0x19400] =	vst v63  }
0x8f: {  	_ =	swait.ge [sflag:s0], $0x2800  }
0x90: {  	[sflag:s0] =	ssyncset.done $0x0  }
0x91: {  	[sflag:s0] =	ssyncadd.s32 $0xFFFFD800  }
0x92: {  	_ =	swait.ge [sflag:s0], $0x50  }
0x93: {  	[sflag:s0] =	ssyncset.done $0x0  }
0x94: {  	[sflag:s0] =	ssyncadd.s32 $0xFFFFFFB0  }
0x95: {  	[bflag:$0x0] =	sbarrier.arrive $0xFFFF  }
0x96: {  	[hbm:s16], [sflag:s9] =	dma.local [spmem:s6], $0x2800  }
0x97: {  	s2 =	sadd.s32 $0x1, s2;
	_ =	swait.ge [sflag:s22], $0x2800  }
0x98: {  	s19 =	simm.s32 $0x20;
	p0 =	sne.s32 s2, s18;
	[sflag:s22] =	ssyncset.done $0x0  }
.Ltmp1:
0x99: {  	s8 =	simm.s32 $0x10;
	[sflag:s22] =	ssyncadd.s32 $0xFFFFD800;
	(pc) =	sbr.rel @p0 .LBB2_1-.Ltmp1, $4  }
0x9a: {  	[hbm:s17@s19], [sflag:s9] =	dma.strided [spmem:s7@s8], $0x50, s25, $0x10   }
0x9b: {  	_ =	swait.ge [sflag:s22], $0x50  }
0x9c: {  	[sflag:s22] =	ssyncset.done $0x0  }
0x9d: {  	[sflag:s22] =	ssyncadd.s32 $0xFFFFFFB0  }
0x9e: {  	_ =	sfence.sel $0x180000  }
0x9f: {  	[bflag:$0x0] =	sbarrier.arrive $0xFFFF  }
0xa0: {  	_ =	strace $0x90000047  }
0xa1: {  	s0 =	stileid.u32;
	[bflag:$0x2] =	sbarrier.arrive $0xFFFF  }
0xa2: {  	p0 =	sne.s32 s0, $0x0;
	s0 =	rddreg [dreg:$0x4]  }
0xa3: {  	s0 =	sadd.s32 @!p0 $0x100000, s0  }
0xa4: {  	[sflag:s0] =	ssyncadd.tile.s32 @!p0 $0x1;
	_ =	shalt  }
.Lfunc_end2:
_tile_overlayer_lowered:
.L_overlay_start_2:
0xa5: {  	(tag) =	ssettag $0x2  }
0xa6: {  	s0 =	rddreg [dreg:$0x0];
	s2 =	stileid.u32  }
0xa7: {  	s1 =	rddreg [dreg:$0x1];
	p0 =	sne.s32 s2, $0x0  }
0xa8: {  	s3 =	rddreg [dreg:$0x2];
	[bflag:$0x3] =	sbarrier.arrive $0xFFFF;
	s2 =	simm.s32 @!p0 $0x1C04  }
0xa9: {  	[timem:s3], [sflag:s2] =	dma.local @!p0 [hbm:s0], s1  }
0xaa: {  	s0 =	simm.s32 @!p0 $0x4  }
0xab: {  	_ =	swait.ge @!p0 [sflag:s0], s1  }
0xac: {  	s1 =	ssub.s32 @!p0 $0x0, s1;
	[sflag:s0] =	ssyncset.done @!p0 $0x0  }
0xad: {  	[sflag:s0] =	ssyncadd.s32 @!p0 s1  }
0xae: {  	[bflag:$0x3] =	sbarrier.arrive $0xFFFF  }
0xaf: {  	_ =	shalt  }

</sc_bundles>
